<compile_context>
chip_gen: v7x
topology: tpu7x:2x2x1
jax: 0.10.2.dev20260603
libtpu: 0.0.44.dev20260713+nightly
codegen_flags: <defaults>
</compile_context>

<pallas_src>
import functools
import math

import jax
import jax.numpy as jnp
from jax import lax
from jax.experimental import pallas as pl
from jax.experimental.pallas import tpu as pltpu
from jax.experimental.pallas import tpu_sc as plsc

B, L, D, F, E = 1, 2048, 1024, 4096, 64
T = B * L
TOP_K = 1
CAP_FACTOR = 1.25
C = max(1, int(math.ceil(CAP_FACTOR * (T * TOP_K / E))))
C_PAD = 40
S = E * C_PAD
FT = 1024
NF = F // FT

NUM_SC = 2
NUM_SUBCORES = 16
NW = NUM_SC * NUM_SUBCORES


def _router_body(x_ref, gw_ref, gb_ref, gmat_ref, pmat_ref, s2t_ref):
    x = x_ref[...]
    logits = lax.dot_general(x, gw_ref[...], (((1,), (1,)), ((), ())),
                             preferred_element_type=jnp.float32)
    logits = logits + gb_ref[...]
    m = jnp.max(logits, axis=1, keepdims=True)
    ssum = jnp.sum(jnp.exp(logits - m), axis=1, keepdims=True)
    prb = 1.0 / ssum
    iota_e = lax.broadcasted_iota(jnp.int32, (T, E), 1)
    idx = jnp.min(jnp.where(logits == m, iota_e, E), axis=1, keepdims=True)
    oh_e = (iota_e == idx).astype(jnp.float32)

    CH = 256
    tri = (lax.broadcasted_iota(jnp.int32, (CH, CH), 0)
           >= lax.broadcasted_iota(jnp.int32, (CH, CH), 1)).astype(jnp.float32)
    base = jnp.zeros((1, E), jnp.float32)
    chunks = []
    for k in range(T // CH):
        ohk = oh_e[k * CH:(k + 1) * CH, :]
        chunks.append(lax.dot_general(tri, ohk, (((1,), (0,)), ((), ())),
                                      preferred_element_type=jnp.float32) + base)
        base = base + jnp.sum(ohk, axis=0, keepdims=True)
    cnt = jnp.concatenate(chunks, axis=0)
    pos = jnp.sum(cnt * oh_e, axis=1, keepdims=True) - 1.0
    keep = pos < float(C)
    pos_i = pos.astype(jnp.int32)

    iota_c = lax.broadcasted_iota(jnp.int32, (T, C_PAD), 1)
    oh_c = ((iota_c == pos_i) & keep).astype(jnp.float32)
    ti = lax.broadcasted_iota(jnp.int32, (T, 1), 0)
    hi_f = lax.shift_right_logical(ti, 8).astype(jnp.float32)
    lo_f = jnp.bitwise_and(ti, 255).astype(jnp.float32)
    g_hi = lax.dot_general(oh_e * hi_f, oh_c, (((0,), (0,)), ((), ())),
                           preferred_element_type=jnp.float32)
    g_lo = lax.dot_general(oh_e * lo_f, oh_c, (((0,), (0,)), ((), ())),
                           preferred_element_type=jnp.float32)
    pmat = lax.dot_general(oh_e * prb, oh_c, (((0,), (0,)), ((), ())),
                           preferred_element_type=jnp.float32)
    slot_iota = (lax.broadcasted_iota(jnp.int32, (E, C_PAD), 0) * C_PAD
                 + lax.broadcasted_iota(jnp.int32, (E, C_PAD), 1))
    fallback = jnp.bitwise_and(slot_iota, T - 1).astype(jnp.float32)
    g = g_hi * 256.0 + g_lo
    gmat_ref[...] = jnp.where(pmat > 0.0, g, fallback)
    pmat_ref[...] = pmat
    s2t_ref[...] = jnp.where(pmat > 0.0, g, -1.0)


def _router(x, gw, gb2):
    return pl.pallas_call(
        _router_body,
        out_shape=[
            jax.ShapeDtypeStruct((E, C_PAD), jnp.float32),
            jax.ShapeDtypeStruct((E, C_PAD), jnp.float32),
            jax.ShapeDtypeStruct((E, C_PAD), jnp.float32),
        ],
    )(x, gw, gb2)


@functools.cache
def _make_sc_gather(n_rows, d):
    rpw = n_rows // NW
    assert n_rows % (8 * NW) == 0
    mesh = plsc.VectorSubcoreMesh(core_axis_name="c", subcore_axis_name="s",
                                  num_cores=NUM_SC, num_subcores=NUM_SUBCORES)

    @functools.partial(
        pl.kernel,
        out_type=jax.ShapeDtypeStruct((n_rows, d), jnp.float32),
        mesh=mesh,
        scratch_types=[
            pltpu.VMEM((rpw,), jnp.int32),
            pltpu.VMEM((rpw, d), jnp.float32),
            pltpu.SemaphoreType.DMA,
        ],
    )
    def gather(table_hbm, idx_hbm, out_hbm, idx_v, rows_v, sem):
        wid = lax.axis_index("s") * NUM_SC + lax.axis_index("c")
        base = wid * rpw
        pltpu.sync_copy(idx_hbm.at[pl.ds(base, rpw)], idx_v)
        pltpu.async_copy(table_hbm.at[idx_v], rows_v, sem).wait()
        pltpu.sync_copy(rows_v, out_hbm.at[pl.ds(base, rpw)])

    return gather


def _sc_gather(table, idx):
    return _make_sc_gather(idx.shape[0], table.shape[1])(table, idx)


def _ffn_body(s2t_ref, xg_ref, w1_ref, b1_ref, w2_ref, b2_ref, pm_ref,
              out_ref, acc_ref):
    e = pl.program_id(0)
    f = pl.program_id(1)

    @pl.when((e == 0) & (f == 0))
    def _():
        out_ref[...] = jnp.zeros((T, D), jnp.float32)

    xv = xg_ref[0]
    h1 = lax.dot_general(xv, w1_ref[0], (((1,), (1,)), ((), ())),
                         preferred_element_type=jnp.float32)
    h1 = jnp.maximum(h1 + b1_ref[0], 0.0)
    part = lax.dot_general(h1, w2_ref[0], (((1,), (1,)), ((), ())),
                           preferred_element_type=jnp.float32)

    @pl.when(f == 0)
    def _():
        acc_ref[...] = part

    @pl.when(f > 0)
    def _():
        acc_ref[...] = acc_ref[...] + part

    @pl.when(f == NF - 1)
    def _():
        res = (acc_ref[...] + b2_ref[0]) * pm_ref[0]
        for c in range(C):
            tok = s2t_ref[e * C_PAD + c]

            @pl.when(tok >= 0)
            def _():
                out_ref[pl.ds(tok, 1), :] = res[c:c + 1, :]


def _ffn(s2t, xg3, w1, b1r, w2, b2r, pm3):
    grid_spec = pltpu.PrefetchScalarGridSpec(
        num_scalar_prefetch=1,
        grid=(E, NF),
        in_specs=[
            pl.BlockSpec((1, C_PAD, D), lambda e, f, s: (e, 0, 0)),
            pl.BlockSpec((1, FT, D), lambda e, f, s: (e, f, 0)),
            pl.BlockSpec((1, 1, FT), lambda e, f, s: (e, 0, f)),
            pl.BlockSpec((1, D, FT), lambda e, f, s: (e, 0, f)),
            pl.BlockSpec((1, 1, D), lambda e, f, s: (e, 0, 0)),
            pl.BlockSpec((1, C_PAD, 1), lambda e, f, s: (e, 0, 0)),
        ],
        out_specs=pl.BlockSpec((T, D), lambda e, f, s: (0, 0)),
        scratch_shapes=[pltpu.VMEM((C_PAD, D), jnp.float32)],
    )
    return pl.pallas_call(
        _ffn_body,
        grid_spec=grid_spec,
        out_shape=jax.ShapeDtypeStruct((T, D), jnp.float32),
        compiler_params=pltpu.CompilerParams(
            dimension_semantics=("arbitrary", "arbitrary")),
    )(s2t, xg3, w1, b1r, w2, b2r, pm3)


def kernel(h, gate_w, gate_b, w1, b1, w2, b2):
    x = h.reshape(T, D)
    gmat, pmat, s2t = _router(x, gate_w, gate_b.reshape(1, E))
    gidx = gmat.reshape(S).astype(jnp.int32)
    xg = _sc_gather(x, gidx)
    out = _ffn(s2t.reshape(S).astype(jnp.int32), xg.reshape(E, C_PAD, D),
               w1, b1.reshape(E, 1, F), w2, b2.reshape(E, 1, D),
               pmat.reshape(E, C_PAD, 1))
    return out.reshape(B, L, D)

# --- scband reference (transcript-rebuilt; emitter-appended) ---
"""Pipeline reference for scband-mo-efeed-forward-28252294873488 (READ-ONLY COPY).

The authoritative reference and input builder live on the scoring server;
editing this copy changes nothing except your own understanding.
"""

import math
import jax, jax.numpy as jnp
import numpy as np

B, L, D, F, E = 1, 2048, 1024, 4096, 64
TOP_K = 1
CAP_FACTOR = 1.25


def setup_inputs(seed: int = 0) -> dict:
    key = jax.random.key(seed)
    ks = jax.random.split(key, 8)
    h = jax.random.normal(ks[0], (B, L, D), dtype=jnp.float32)
    gate_w = jax.random.normal(ks[1], (E, D), dtype=jnp.float32) * 0.02
    gate_b = jnp.zeros((E,), dtype=jnp.float32)
    w1 = jax.random.normal(ks[2], (E, F, D), dtype=jnp.float32) * 0.02
    b1 = jnp.zeros((E, F), dtype=jnp.float32)
    w2 = jax.random.normal(ks[3], (E, D, F), dtype=jnp.float32) * 0.02
    b2 = jnp.zeros((E, D), dtype=jnp.float32)
    return {"h": h, "gate_w": gate_w, "gate_b": gate_b, "w1": w1, "b1": b1, "w2": w2, "b2": b2}


def reference(h, gate_w, gate_b, w1, b1, w2, b2):
    # eval-mode forward of MoEFeedForward with top_k=1 (Switch-style routing)
    Bx, Lx, Dx = h.shape
    T = Bx * Lx
    x = h.reshape(T, Dx)
    # gating (nn.Linear: x @ W^T + b)
    logits = x @ gate_w.T + gate_b
    logits = jnp.nan_to_num(logits, neginf=-10000.0, posinf=10000.0)
    # temp = max(0.2, 1.0) = 1.0 -> no scaling
    probs = jax.nn.softmax(logits, axis=-1)
    probs = jnp.nan_to_num(probs, nan=0.0, posinf=0.0, neginf=0.0)
    row_sum = probs.sum(axis=-1, keepdims=True)
    bad = row_sum <= 1e-12
    probs = jnp.where(bad, 1.0 / E, probs / jnp.clip(row_sum, 1e-12, None))
    topk_prob, topk_idx = jax.lax.top_k(probs, TOP_K)
    idx = topk_idx[:, 0]
    prb = topk_prob[:, 0]
    capacity = max(1, int(math.ceil(CAP_FACTOR * (T * TOP_K / E))))
    # capacity-limited dispatch: tokens kept in index order per expert (matches sel[:capacity])
    one_hot = jax.nn.one_hot(idx, E, dtype=x.dtype)  # [T, E]
    pos = jnp.cumsum(one_hot, axis=0) - 1.0          # position within expert bucket
    keep = one_hot * (pos < capacity).astype(x.dtype)
    slot = jax.nn.one_hot(pos.astype(jnp.int32), capacity, dtype=x.dtype)  # [T, E, C]
    dispatch = keep[:, :, None] * slot                # [T, E, C]
    expert_in = jnp.einsum('tec,td->ecd', dispatch, x)  # gather tokens per expert
    h1 = jax.nn.relu(jnp.einsum('ecd,efd->ecf', expert_in, w1) + b1[:, None, :])
    # dropout is identity in eval mode
    h2 = jnp.einsum('ecf,edf->ecd', h1, w2) + b2[:, None, :]
    combine = dispatch * prb[:, None, None]
    out = jnp.einsum('tec,ecd->td', combine, h2)      # scatter-add back, weighted by gate prob
    return out.reshape(Bx, Lx, Dx)

if __name__ == "__main__":
    import jax
    _d = setup_inputs()
    print(jax.jit(kernel)(*tuple(_d.values())))

</pallas_src>

<mosaic_0001>
#map = affine_map<(d0, d1) -> (0, 0)>
#map1 = affine_map<(d0, d1) -> (0)>
module attributes {stable_mosaic.version = 14 : i64} {
  func.func @gather(%arg0: i32, %arg1: i32, %arg2: memref<2048x1024xf32, #tpu.memory_space<hbm>>, %arg3: memref<2560xi32, #tpu.memory_space<hbm>>, %arg4: memref<2560x1024xf32, #tpu.memory_space<hbm>>, %arg5: memref<80xi32, #tpu.memory_space<vmem>>, %arg6: memref<80x1024xf32, #tpu.memory_space<vmem>>, %arg7: memref<!tpu.dma_semaphore, #tpu.memory_space<semaphore_mem>>) attributes {dimension_semantics = [#tpu.dimension_semantics<core_parallel>, #tpu.dimension_semantics<subcore_parallel>], iteration_bounds = array<i64: 2, 16>, scalar_prefetch = 0 : i64, scratch_operands = 3 : i64, tpu.core_type = #tpu.core_type<sc_vector_subcore>, window_params = [{transform_indices = #map}, {transform_indices = #map1}, {transform_indices = #map}]} {
    %mul3A = arith.constant 2 : i32
    %mul3A_0 = arith.muli %arg1, %mul3A : i32
    %add3A = arith.addi %mul3A_0, %arg0 : i32
    %mul3A_1 = arith.constant 80 : i32
    %mul3A_2 = arith.muli %add3A, %mul3A_1 : i32
    "tpu.region"() ({
      %run_scoped3A = tpu.sem_alloc : memref<!tpu.dma_semaphore, #tpu.memory_space<semaphore_mem>>
      %dma_start3A_7 = tpu.memref_slice %arg3[%mul3A_2] : memref<2560xi32, #tpu.memory_space<hbm>> -> memref<80xi32, #tpu.memory_space<hbm>>
      %dma_start3A_8 = tpu.memref_slice %arg3[%mul3A_2] : memref<2560xi32, #tpu.memory_space<hbm>> -> memref<80xi32, #tpu.memory_space<hbm>>
      tpu.enqueue_dma source(%dma_start3A_8 : memref<80xi32, #tpu.memory_space<hbm>>) target(%arg5 : memref<80xi32, #tpu.memory_space<vmem>>) target_semaphore(%run_scoped3A : memref<!tpu.dma_semaphore, #tpu.memory_space<semaphore_mem>>)
      %dma_wait3A_9 = tpu.memref_slice %arg3[%mul3A_2] : memref<2560xi32, #tpu.memory_space<hbm>> -> memref<80xi32, #tpu.memory_space<hbm>>
      %dma_wait3A_10 = tpu.memref_slice %arg3[%mul3A_2] : memref<2560xi32, #tpu.memory_space<hbm>> -> memref<80xi32, #tpu.memory_space<hbm>>
      tpu.wait_dma2 semaphore(%run_scoped3A : memref<!tpu.dma_semaphore, #tpu.memory_space<semaphore_mem>>) src(%dma_wait3A_10 : memref<80xi32, #tpu.memory_space<hbm>>) dst(%arg5 : memref<80xi32, #tpu.memory_space<vmem>>)
      tpu.yield
    }) : () -> ()
    %dma_start3A = arith.constant 0 : i32
    %dma_start3A_3 = arith.constant 0 : i32
    %dma_start3A_4 = tpu.memref_slice %arg2[%dma_start3A, %dma_start3A_3] : memref<2048x1024xf32, #tpu.memory_space<hbm>> -> memref<2048x1024xf32, #tpu.memory_space<hbm>>
    tpu.enqueue_indirect_dma source(%dma_start3A_4 : memref<2048x1024xf32, #tpu.memory_space<hbm>>) target(%arg6 : memref<80x1024xf32, #tpu.memory_space<vmem>>) offsets(%arg5 : memref<80xi32, #tpu.memory_space<vmem>>) semaphore(%arg7 : memref<!tpu.dma_semaphore, #tpu.memory_space<semaphore_mem>>)
    %dma_wait3A = arith.constant 0 : i32
    %dma_wait3A_5 = arith.constant 0 : i32
    %dma_wait3A_6 = tpu.memref_slice %arg2[%dma_wait3A, %dma_wait3A_5] : memref<2048x1024xf32, #tpu.memory_space<hbm>> -> memref<2048x1024xf32, #tpu.memory_space<hbm>>
    tpu.wait_indirect_dma semaphore(%arg7 : memref<!tpu.dma_semaphore, #tpu.memory_space<semaphore_mem>>) src(%dma_wait3A_6 : memref<2048x1024xf32, #tpu.memory_space<hbm>>) dst(%arg6 : memref<80x1024xf32, #tpu.memory_space<vmem>>)
    "tpu.region"() ({
      %run_scoped3A = tpu.sem_alloc : memref<!tpu.dma_semaphore, #tpu.memory_space<semaphore_mem>>
      %dma_start3A_7 = arith.constant 0 : i32
      %dma_start3A_8 = tpu.memref_slice %arg4[%mul3A_2, %dma_start3A_7] : memref<2560x1024xf32, #tpu.memory_space<hbm>> -> memref<80x1024xf32, #tpu.memory_space<hbm>>
      %dma_start3A_9 = arith.constant 0 : i32
      %dma_start3A_10 = tpu.memref_slice %arg4[%mul3A_2, %dma_start3A_9] : memref<2560x1024xf32, #tpu.memory_space<hbm>> -> memref<80x1024xf32, #tpu.memory_space<hbm>>
      tpu.enqueue_dma source(%arg6 : memref<80x1024xf32, #tpu.memory_space<vmem>>) target(%dma_start3A_10 : memref<80x1024xf32, #tpu.memory_space<hbm>>) target_semaphore(%run_scoped3A : memref<!tpu.dma_semaphore, #tpu.memory_space<semaphore_mem>>)
      %dma_wait3A_11 = arith.constant 0 : i32
      %dma_wait3A_12 = tpu.memref_slice %arg4[%mul3A_2, %dma_wait3A_11] : memref<2560x1024xf32, #tpu.memory_space<hbm>> -> memref<80x1024xf32, #tpu.memory_space<hbm>>
      %dma_wait3A_13 = arith.constant 0 : i32
      %dma_wait3A_14 = tpu.memref_slice %arg4[%mul3A_2, %dma_wait3A_13] : memref<2560x1024xf32, #tpu.memory_space<hbm>> -> memref<80x1024xf32, #tpu.memory_space<hbm>>
      tpu.wait_dma2 semaphore(%run_scoped3A : memref<!tpu.dma_semaphore, #tpu.memory_space<semaphore_mem>>) src(%arg6 : memref<80x1024xf32, #tpu.memory_space<vmem>>) dst(%dma_wait3A_14 : memref<80x1024xf32, #tpu.memory_space<hbm>>)
      tpu.yield
    }) : () -> ()
    return
  }
}

module attributes {stable_mosaic.version = 14 : i64} {
  func.func @_router_body(%arg0: memref<2048x1024xf32, #tpu.memory_space<vmem>>, %arg1: memref<64x1024xf32, #tpu.memory_space<vmem>>, %arg2: memref<1x64xf32, #tpu.memory_space<vmem>>, %arg3: memref<64x40xf32, #tpu.memory_space<vmem>>, %arg4: memref<64x40xf32, #tpu.memory_space<vmem>>, %arg5: memref<64x40xf32, #tpu.memory_space<vmem>>) attributes {dimension_semantics = [], scalar_prefetch = 0 : i64, scratch_operands = 0 : i64, tpu.core_type = #tpu.core_type<tc>} {
    %get3A = arith.constant 0 : index
    %get3A_0 = arith.constant 0 : index
    %get3A_1 = vector.load %arg0[%get3A, %get3A_0] : memref<2048x1024xf32, #tpu.memory_space<vmem>>, vector<2048x1024xf32>
    %get3A_2 = arith.constant 0 : index
    %get3A_3 = arith.constant 0 : index
    %get3A_4 = vector.load %arg1[%get3A_2, %get3A_3] : memref<64x1024xf32, #tpu.memory_space<vmem>>, vector<64x1024xf32>
    %dot_general3A = arith.constant dense<0.000000e+00> : vector<2048x64xf32>
    %dot_general3A_5 = tpu.matmul %get3A_1, %get3A_4, %dot_general3A {dimension_numbers = #tpu.dot_dimension_numbers<[1], [1], [0], [0], [0, 0, 1, 0], [], []>, transpose_lhs_hint = false} : vector<2048x1024xf32>, vector<64x1024xf32>, vector<2048x64xf32> -> vector<2048x64xf32>
    %get3A_6 = arith.constant 0 : index
    %get3A_7 = arith.constant 0 : index
    %get3A_8 = vector.load %arg2[%get3A_6, %get3A_7] : memref<1x64xf32, #tpu.memory_space<vmem>>, vector<1x64xf32>
    %add3A = vector.broadcast %get3A_8 : vector<1x64xf32> to vector<2048x64xf32>
    %add3A_9 = arith.addf %dot_general3A_5, %add3A : vector<2048x64xf32>
    %reduce_max3A = arith.constant dense<0xFF800000> : vector<2048xf32>
    %reduce_max3A_10 = vector.multi_reduction <maximumf>, %add3A_9, %reduce_max3A [1] : vector<2048x64xf32> to vector<2048xf32>
    %broadcast_in_dim3A = vector.shape_cast %reduce_max3A_10 : vector<2048xf32> to vector<2048x1xf32>
    %sub3A = vector.broadcast %broadcast_in_dim3A : vector<2048x1xf32> to vector<2048x64xf32>
    %sub3A_11 = arith.subf %add3A_9, %sub3A : vector<2048x64xf32>
    %exp3A = math.exp %sub3A_11 : vector<2048x64xf32>
    %reduce_sum3A = arith.constant dense<0.000000e+00> : vector<2048xf32>
    %reduce_sum3A_12 = vector.multi_reduction <add>, %exp3A, %reduce_sum3A [1] : vector<2048x64xf32> to vector<2048xf32>
    %broadcast_in_dim3A_13 = vector.shape_cast %reduce_sum3A_12 : vector<2048xf32> to vector<2048x1xf32>
    %div3A = arith.constant 1.000000e+00 : f32
    %div3A_14 = vector.broadcast %div3A : f32 to vector<2048x1xf32>
    %div3A_15 = arith.divf %div3A_14, %broadcast_in_dim3A_13 : vector<2048x1xf32>
    %iota3A = tpu.iota {dimensions = array<i32: 1>} : vector<2048x64xi32>
    %eq3A = vector.broadcast %broadcast_in_dim3A : vector<2048x1xf32> to vector<2048x64xf32>
    %eq3A_16 = arith.cmpf oeq, %add3A_9, %eq3A : vector<2048x64xf32>
    %jit3A = arith.constant 64 : i32
    %broadcast_in_dim3A_17 = vector.broadcast %jit3A : i32 to vector<2048x64xi32>
    %select_n3A = arith.select %eq3A_16, %iota3A, %broadcast_in_dim3A_17 : vector<2048x64xi1>, vector<2048x64xi32>
    %reduce_min3A = arith.constant dense<2147483647> : vector<2048xi32>
    %reduce_min3A_18 = vector.multi_reduction <minsi>, %select_n3A, %reduce_min3A [1] : vector<2048x64xi32> to vector<2048xi32>
    %broadcast_in_dim3A_19 = vector.shape_cast %reduce_min3A_18 : vector<2048xi32> to vector<2048x1xi32>
    %eq3A_20 = vector.broadcast %broadcast_in_dim3A_19 : vector<2048x1xi32> to vector<2048x64xi32>
    %eq3A_21 = arith.cmpi eq, %iota3A, %eq3A_20 : vector<2048x64xi32>
    %convert_element_type3A = arith.extui %eq3A_21 : vector<2048x64xi1> to vector<2048x64xi32>
    %convert_element_type3A_22 = arith.sitofp %convert_element_type3A : vector<2048x64xi32> to vector<2048x64xf32>
    %iota3A_23 = tpu.iota {dimensions = array<i32: 0>} : vector<256x256xi32>
    %iota3A_24 = tpu.iota {dimensions = array<i32: 1>} : vector<256x256xi32>
    %ge3A = arith.cmpi sge, %iota3A_23, %iota3A_24 : vector<256x256xi32>
    %convert_element_type3A_25 = arith.extui %ge3A : vector<256x256xi1> to vector<256x256xi32>
    %convert_element_type3A_26 = arith.sitofp %convert_element_type3A_25 : vector<256x256xi32> to vector<256x256xf32>
    %broadcast_in_dim3A_27 = arith.constant 0.000000e+00 : f32
    %broadcast_in_dim3A_28 = vector.broadcast %broadcast_in_dim3A_27 : f32 to vector<1x64xf32>
    %slice3A = vector.extract_strided_slice %convert_element_type3A_22 {offsets = [0, 0], sizes = [256, 64], strides = [1, 1]} : vector<2048x64xf32> to vector<256x64xf32>
    %dot_general3A_29 = arith.constant dense<0.000000e+00> : vector<256x64xf32>
    %dot_general3A_30 = tpu.matmul %convert_element_type3A_26, %slice3A, %dot_general3A_29 {dimension_numbers = #tpu.dot_dimension_numbers<[1], [0], [0], [1], [0, 0, 1, 1], [], []>, transpose_lhs_hint = false} : vector<256x256xf32>, vector<256x64xf32>, vector<256x64xf32> -> vector<256x64xf32>
    %add3A_31 = vector.broadcast %broadcast_in_dim3A_28 : vector<1x64xf32> to vector<256x64xf32>
    %add3A_32 = arith.addf %dot_general3A_30, %add3A_31 : vector<256x64xf32>
    %reduce_sum3A_33 = arith.constant dense<0.000000e+00> : vector<64xf32>
    %reduce_sum3A_34 = vector.multi_reduction <add>, %slice3A, %reduce_sum3A_33 [0] : vector<256x64xf32> to vector<64xf32>
    %broadcast_in_dim3A_35 = vector.shape_cast %reduce_sum3A_34 : vector<64xf32> to vector<1x64xf32>
    %add3A_36 = arith.addf %broadcast_in_dim3A_28, %broadcast_in_dim3A_35 : vector<1x64xf32>
    %slice3A_37 = vector.extract_strided_slice %convert_element_type3A_22 {offsets = [256, 0], sizes = [256, 64], strides = [1, 1]} : vector<2048x64xf32> to vector<256x64xf32>
    %dot_general3A_38 = arith.constant dense<0.000000e+00> : vector<256x64xf32>
    %dot_general3A_39 = tpu.matmul %convert_element_type3A_26, %slice3A_37, %dot_general3A_38 {dimension_numbers = #tpu.dot_dimension_numbers<[1], [0], [0], [1], [0, 0, 1, 1], [], []>, transpose_lhs_hint = false} : vector<256x256xf32>, vector<256x64xf32>, vector<256x64xf32> -> vector<256x64xf32>
    %add3A_40 = vector.broadcast %add3A_36 : vector<1x64xf32> to vector<256x64xf32>
    %add3A_41 = arith.addf %dot_general3A_39, %add3A_40 : vector<256x64xf32>
    %reduce_sum3A_42 = arith.constant dense<0.000000e+00> : vector<64xf32>
    %reduce_sum3A_43 = vector.multi_reduction <add>, %slice3A_37, %reduce_sum3A_42 [0] : vector<256x64xf32> to vector<64xf32>
    %broadcast_in_dim3A_44 = vector.shape_cast %reduce_sum3A_43 : vector<64xf32> to vector<1x64xf32>
    %add3A_45 = arith.addf %add3A_36, %broadcast_in_dim3A_44 : vector<1x64xf32>
    %slice3A_46 = vector.extract_strided_slice %convert_element_type3A_22 {offsets = [512, 0], sizes = [256, 64], strides = [1, 1]} : vector<2048x64xf32> to vector<256x64xf32>
    %dot_general3A_47 = arith.constant dense<0.000000e+00> : vector<256x64xf32>
    %dot_general3A_48 = tpu.matmul %convert_element_type3A_26, %slice3A_46, %dot_general3A_47 {dimension_numbers = #tpu.dot_dimension_numbers<[1], [0], [0], [1], [0, 0, 1, 1], [], []>, transpose_lhs_hint = false} : vector<256x256xf32>, vector<256x64xf32>, vector<256x64xf32> -> vector<256x64xf32>
    %add3A_49 = vector.broadcast %add3A_45 : vector<1x64xf32> to vector<256x64xf32>
    %add3A_50 = arith.addf %dot_general3A_48, %add3A_49 : vector<256x64xf32>
    %reduce_sum3A_51 = arith.constant dense<0.000000e+00> : vector<64xf32>
    %reduce_sum3A_52 = vector.multi_reduction <add>, %slice3A_46, %reduce_sum3A_51 [0] : vector<256x64xf32> to vector<64xf32>
    %broadcast_in_dim3A_53 = vector.shape_cast %reduce_sum3A_52 : vector<64xf32> to vector<1x64xf32>
    %add3A_54 = arith.addf %add3A_45, %broadcast_in_dim3A_53 : vector<1x64xf32>
    %slice3A_55 = vector.extract_strided_slice %convert_element_type3A_22 {offsets = [768, 0], sizes = [256, 64], strides = [1, 1]} : vector<2048x64xf32> to vector<256x64xf32>
    %dot_general3A_56 = arith.constant dense<0.000000e+00> : vector<256x64xf32>
    %dot_general3A_57 = tpu.matmul %convert_element_type3A_26, %slice3A_55, %dot_general3A_56 {dimension_numbers = #tpu.dot_dimension_numbers<[1], [0], [0], [1], [0, 0, 1, 1], [], []>, transpose_lhs_hint = false} : vector<256x256xf32>, vector<256x64xf32>, vector<256x64xf32> -> vector<256x64xf32>
    %add3A_58 = vector.broadcast %add3A_54 : vector<1x64xf32> to vector<256x64xf32>
    %add3A_59 = arith.addf %dot_general3A_57, %add3A_58 : vector<256x64xf32>
    %reduce_sum3A_60 = arith.constant dense<0.000000e+00> : vector<64xf32>
    %reduce_sum3A_61 = vector.multi_reduction <add>, %slice3A_55, %reduce_sum3A_60 [0] : vector<256x64xf32> to vector<64xf32>
    %broadcast_in_dim3A_62 = vector.shape_cast %reduce_sum3A_61 : vector<64xf32> to vector<1x64xf32>
    %add3A_63 = arith.addf %add3A_54, %broadcast_in_dim3A_62 : vector<1x64xf32>
    %slice3A_64 = vector.extract_strided_slice %convert_element_type3A_22 {offsets = [1024, 0], sizes = [256, 64], strides = [1, 1]} : vector<2048x64xf32> to vector<256x64xf32>
    %dot_general3A_65 = arith.constant dense<0.000000e+00> : vector<256x64xf32>
    %dot_general3A_66 = tpu.matmul %convert_element_type3A_26, %slice3A_64, %dot_general3A_65 {dimension_numbers = #tpu.dot_dimension_numbers<[1], [0], [0], [1], [0, 0, 1, 1], [], []>, transpose_lhs_hint = false} : vector<256x256xf32>, vector<256x64xf32>, vector<256x64xf32> -> vector<256x64xf32>
    %add3A_67 = vector.broadcast %add3A_63 : vector<1x64xf32> to vector<256x64xf32>
    %add3A_68 = arith.addf %dot_general3A_66, %add3A_67 : vector<256x64xf32>
    %reduce_sum3A_69 = arith.constant dense<0.000000e+00> : vector<64xf32>
    %reduce_sum3A_70 = vector.multi_reduction <add>, %slice3A_64, %reduce_sum3A_69 [0] : vector<256x64xf32> to vector<64xf32>
    %broadcast_in_dim3A_71 = vector.shape_cast %reduce_sum3A_70 : vector<64xf32> to vector<1x64xf32>
    %add3A_72 = arith.addf %add3A_63, %broadcast_in_dim3A_71 : vector<1x64xf32>
    %slice3A_73 = vector.extract_strided_slice %convert_element_type3A_22 {offsets = [1280, 0], sizes = [256, 64], strides = [1, 1]} : vector<2048x64xf32> to vector<256x64xf32>
    %dot_general3A_74 = arith.constant dense<0.000000e+00> : vector<256x64xf32>
    %dot_general3A_75 = tpu.matmul %convert_element_type3A_26, %slice3A_73, %dot_general3A_74 {dimension_numbers = #tpu.dot_dimension_numbers<[1], [0], [0], [1], [0, 0, 1, 1], [], []>, transpose_lhs_hint = false} : vector<256x256xf32>, vector<256x64xf32>, vector<256x64xf32> -> vector<256x64xf32>
    %add3A_76 = vector.broadcast %add3A_72 : vector<1x64xf32> to vector<256x64xf32>
    %add3A_77 = arith.addf %dot_general3A_75, %add3A_76 : vector<256x64xf32>
    %reduce_sum3A_78 = arith.constant dense<0.000000e+00> : vector<64xf32>
    %reduce_sum3A_79 = vector.multi_reduction <add>, %slice3A_73, %reduce_sum3A_78 [0] : vector<256x64xf32> to vector<64xf32>
    %broadcast_in_dim3A_80 = vector.shape_cast %reduce_sum3A_79 : vector<64xf32> to vector<1x64xf32>
    %add3A_81 = arith.addf %add3A_72, %broadcast_in_dim3A_80 : vector<1x64xf32>
    %slice3A_82 = vector.extract_strided_slice %convert_element_type3A_22 {offsets = [1536, 0], sizes = [256, 64], strides = [1, 1]} : vector<2048x64xf32> to vector<256x64xf32>
    %dot_general3A_83 = arith.constant dense<0.000000e+00> : vector<256x64xf32>
    %dot_general3A_84 = tpu.matmul %convert_element_type3A_26, %slice3A_82, %dot_general3A_83 {dimension_numbers = #tpu.dot_dimension_numbers<[1], [0], [0], [1], [0, 0, 1, 1], [], []>, transpose_lhs_hint = false} : vector<256x256xf32>, vector<256x64xf32>, vector<256x64xf32> -> vector<256x64xf32>
    %add3A_85 = vector.broadcast %add3A_81 : vector<1x64xf32> to vector<256x64xf32>
    %add3A_86 = arith.addf %dot_general3A_84, %add3A_85 : vector<256x64xf32>
    %reduce_sum3A_87 = arith.constant dense<0.000000e+00> : vector<64xf32>
    %reduce_sum3A_88 = vector.multi_reduction <add>, %slice3A_82, %reduce_sum3A_87 [0] : vector<256x64xf32> to vector<64xf32>
    %broadcast_in_dim3A_89 = vector.shape_cast %reduce_sum3A_88 : vector<64xf32> to vector<1x64xf32>
    %add3A_90 = arith.addf %add3A_81, %broadcast_in_dim3A_89 : vector<1x64xf32>
    %slice3A_91 = vector.extract_strided_slice %convert_element_type3A_22 {offsets = [1792, 0], sizes = [256, 64], strides = [1, 1]} : vector<2048x64xf32> to vector<256x64xf32>
    %dot_general3A_92 = arith.constant dense<0.000000e+00> : vector<256x64xf32>
    %dot_general3A_93 = tpu.matmul %convert_element_type3A_26, %slice3A_91, %dot_general3A_92 {dimension_numbers = #tpu.dot_dimension_numbers<[1], [0], [0], [1], [0, 0, 1, 1], [], []>, transpose_lhs_hint = false} : vector<256x256xf32>, vector<256x64xf32>, vector<256x64xf32> -> vector<256x64xf32>
    %add3A_94 = vector.broadcast %add3A_90 : vector<1x64xf32> to vector<256x64xf32>
    %add3A_95 = arith.addf %dot_general3A_93, %add3A_94 : vector<256x64xf32>
    %concatenate3A = tpu.concatenate %add3A_32, %add3A_41, %add3A_50, %add3A_59, %add3A_68, %add3A_77, %add3A_86, %add3A_95 in 0 : vector<256x64xf32>, vector<256x64xf32>, vector<256x64xf32>, vector<256x64xf32>, vector<256x64xf32>, vector<256x64xf32>, vector<256x64xf32>, vector<256x64xf32> -> vector<2048x64xf32>
    %mul3A = arith.mulf %concatenate3A, %convert_element_type3A_22 : vector<2048x64xf32>
    %reduce_sum3A_96 = arith.constant dense<0.000000e+00> : vector<2048xf32>
    %reduce_sum3A_97 = vector.multi_reduction <add>, %mul3A, %reduce_sum3A_96 [1] : vector<2048x64xf32> to vector<2048xf32>
    %broadcast_in_dim3A_98 = vector.shape_cast %reduce_sum3A_97 : vector<2048xf32> to vector<2048x1xf32>
    %sub3A_99 = arith.constant 1.000000e+00 : f32
    %sub3A_100 = vector.broadcast %sub3A_99 : f32 to vector<2048x1xf32>
    %sub3A_101 = arith.subf %broadcast_in_dim3A_98, %sub3A_100 : vector<2048x1xf32>
    %lt3A = arith.constant 4.000000e+01 : f32
    %lt3A_102 = vector.broadcast %lt3A : f32 to vector<2048x1xf32>
    %lt3A_103 = arith.cmpf olt, %sub3A_101, %lt3A_102 : vector<2048x1xf32>
    %convert_element_type3A_104 = arith.fptosi %sub3A_101 : vector<2048x1xf32> to vector<2048x1xi32>
    %iota3A_105 = tpu.iota {dimensions = array<i32: 1>} : vector<2048x40xi32>
    %eq3A_106 = vector.broadcast %convert_element_type3A_104 : vector<2048x1xi32> to vector<2048x40xi32>
    %eq3A_107 = arith.cmpi eq, %iota3A_105, %eq3A_106 : vector<2048x40xi32>
    %and3A = vector.broadcast %lt3A_103 : vector<2048x1xi1> to vector<2048x40xi1>
    %and3A_108 = arith.andi %eq3A_107, %and3A : vector<2048x40xi1>
    %convert_element_type3A_109 = arith.extui %and3A_108 : vector<2048x40xi1> to vector<2048x40xi32>
    %convert_element_type3A_110 = arith.sitofp %convert_element_type3A_109 : vector<2048x40xi32> to vector<2048x40xf32>
    %iota3A_111 = tpu.iota {dimensions = array<i32: 0>} : vector<2048x1xi32>
    %shift_right_logical3A = arith.constant 8 : i32
    %shift_right_logical3A_112 = vector.broadcast %shift_right_logical3A : i32 to vector<2048x1xi32>
    %shift_right_logical3A_113 = arith.shrui %iota3A_111, %shift_right_logical3A_112 : vector<2048x1xi32>
    %convert_element_type3A_114 = arith.sitofp %shift_right_logical3A_113 : vector<2048x1xi32> to vector<2048x1xf32>
    %and3A_115 = arith.constant 255 : i32
    %and3A_116 = vector.broadcast %and3A_115 : i32 to vector<2048x1xi32>
    %and3A_117 = arith.andi %iota3A_111, %and3A_116 : vector<2048x1xi32>
    %convert_element_type3A_118 = arith.sitofp %and3A_117 : vector<2048x1xi32> to vector<2048x1xf32>
    %mul3A_119 = vector.broadcast %convert_element_type3A_114 : vector<2048x1xf32> to vector<2048x64xf32>
    %mul3A_120 = arith.mulf %convert_element_type3A_22, %mul3A_119 : vector<2048x64xf32>
    %dot_general3A_121 = arith.constant dense<0.000000e+00> : vector<64x40xf32>
    %dot_general3A_122 = tpu.matmul %mul3A_120, %convert_element_type3A_110, %dot_general3A_121 {dimension_numbers = #tpu.dot_dimension_numbers<[0], [0], [1], [1], [0, 1, 1, 1], [], []>, transpose_lhs_hint = false} : vector<2048x64xf32>, vector<2048x40xf32>, vector<64x40xf32> -> vector<64x40xf32>
    %mul3A_123 = vector.broadcast %convert_element_type3A_118 : vector<2048x1xf32> to vector<2048x64xf32>
    %mul3A_124 = arith.mulf %convert_element_type3A_22, %mul3A_123 : vector<2048x64xf32>
    %dot_general3A_125 = arith.constant dense<0.000000e+00> : vector<64x40xf32>
    %dot_general3A_126 = tpu.matmul %mul3A_124, %convert_element_type3A_110, %dot_general3A_125 {dimension_numbers = #tpu.dot_dimension_numbers<[0], [0], [1], [1], [0, 1, 1, 1], [], []>, transpose_lhs_hint = false} : vector<2048x64xf32>, vector<2048x40xf32>, vector<64x40xf32> -> vector<64x40xf32>
    %mul3A_127 = vector.broadcast %div3A_15 : vector<2048x1xf32> to vector<2048x64xf32>
    %mul3A_128 = arith.mulf %convert_element_type3A_22, %mul3A_127 : vector<2048x64xf32>
    %dot_general3A_129 = arith.constant dense<0.000000e+00> : vector<64x40xf32>
    %dot_general3A_130 = tpu.matmul %mul3A_128, %convert_element_type3A_110, %dot_general3A_129 {dimension_numbers = #tpu.dot_dimension_numbers<[0], [0], [1], [1], [0, 1, 1, 1], [], []>, transpose_lhs_hint = false} : vector<2048x64xf32>, vector<2048x40xf32>, vector<64x40xf32> -> vector<64x40xf32>
    %iota3A_131 = tpu.iota {dimensions = array<i32: 0>} : vector<64x40xi32>
    %mul3A_132 = arith.constant 40 : i32
    %mul3A_133 = vector.broadcast %mul3A_132 : i32 to vector<64x40xi32>
    %mul3A_134 = arith.muli %iota3A_131, %mul3A_133 : vector<64x40xi32>
    %iota3A_135 = tpu.iota {dimensions = array<i32: 1>} : vector<64x40xi32>
    %add3A_136 = arith.addi %mul3A_134, %iota3A_135 : vector<64x40xi32>
    %and3A_137 = arith.constant 2047 : i32
    %and3A_138 = vector.broadcast %and3A_137 : i32 to vector<64x40xi32>
    %and3A_139 = arith.andi %add3A_136, %and3A_138 : vector<64x40xi32>
    %convert_element_type3A_140 = arith.sitofp %and3A_139 : vector<64x40xi32> to vector<64x40xf32>
    %mul3A_141 = arith.constant 2.560000e+02 : f32
    %mul3A_142 = vector.broadcast %mul3A_141 : f32 to vector<64x40xf32>
    %mul3A_143 = arith.mulf %dot_general3A_122, %mul3A_142 : vector<64x40xf32>
    %add3A_144 = arith.addf %mul3A_143, %dot_general3A_126 : vector<64x40xf32>
    %gt3A = arith.constant 0.000000e+00 : f32
    %gt3A_145 = vector.broadcast %gt3A : f32 to vector<64x40xf32>
    %gt3A_146 = arith.cmpf ogt, %dot_general3A_130, %gt3A_145 : vector<64x40xf32>
    %select_n3A_147 = arith.select %gt3A_146, %add3A_144, %convert_element_type3A_140 : vector<64x40xi1>, vector<64x40xf32>
    %swap3A = arith.constant 0 : index
    %swap3A_148 = arith.constant 0 : index
    %swap3A_149 = vector.load %arg3[%swap3A, %swap3A_148] : memref<64x40xf32, #tpu.memory_space<vmem>>, vector<64x40xf32>
    tpu.vector_store %arg3[%swap3A, %swap3A_148], %select_n3A_147 {strides = array<i32>} : memref<64x40xf32, #tpu.memory_space<vmem>>, vector<64x40xf32>,
    %swap3A_150 = arith.constant 0 : index
    %swap3A_151 = arith.constant 0 : index
    %swap3A_152 = vector.load %arg4[%swap3A_150, %swap3A_151] : memref<64x40xf32, #tpu.memory_space<vmem>>, vector<64x40xf32>
    tpu.vector_store %arg4[%swap3A_150, %swap3A_151], %dot_general3A_130 {strides = array<i32>} : memref<64x40xf32, #tpu.memory_space<vmem>>, vector<64x40xf32>,
    %gt3A_153 = arith.constant 0.000000e+00 : f32
    %gt3A_154 = vector.broadcast %gt3A_153 : f32 to vector<64x40xf32>
    %gt3A_155 = arith.cmpf ogt, %dot_general3A_130, %gt3A_154 : vector<64x40xf32>
    %jit3A_156 = arith.constant -1.000000e+00 : f32
    %broadcast_in_dim3A_157 = vector.broadcast %jit3A_156 : f32 to vector<64x40xf32>
    %select_n3A_158 = arith.select %gt3A_155, %add3A_144, %broadcast_in_dim3A_157 : vector<64x40xi1>, vector<64x40xf32>
    %swap3A_159 = arith.constant 0 : index
    %swap3A_160 = arith.constant 0 : index
    %swap3A_161 = vector.load %arg5[%swap3A_159, %swap3A_160] : memref<64x40xf32, #tpu.memory_space<vmem>>, vector<64x40xf32>
    tpu.vector_store %arg5[%swap3A_159, %swap3A_160], %select_n3A_158 {strides = array<i32>} : memref<64x40xf32, #tpu.memory_space<vmem>>, vector<64x40xf32>,
    return
  }
}

module attributes {stable_mosaic.version = 14 : i64} {
  func.func @_ffn_body(%arg0: i32, %arg1: i32, %arg2: memref<2560xi32, #tpu.memory_space<smem>>, %arg3: memref<1x40x1024xf32, #tpu.memory_space<vmem>>, %arg4: memref<1x1024x1024xf32, #tpu.memory_space<vmem>>, %arg5: memref<1x1x1024xf32, #tpu.memory_space<vmem>>, %arg6: memref<1x1024x1024xf32, #tpu.memory_space<vmem>>, %arg7: memref<1x1x1024xf32, #tpu.memory_space<vmem>>, %arg8: memref<1x40x1xf32, #tpu.memory_space<vmem>>, %arg9: memref<2048x1024xf32, #tpu.memory_space<vmem>>, %arg10: memref<40x1024xf32, #tpu.memory_space<vmem>>) attributes {dimension_semantics = [#tpu.dimension_semantics<arbitrary>, #tpu.dimension_semantics<arbitrary>], iteration_bounds = array<i64: 64, 4>, scalar_prefetch = 1 : i64, scratch_operands = 1 : i64, tpu.core_type = #tpu.core_type<tc>, window_params = [{transform_indices = @transform_0, window_bounds = array<i64: 1, 40, 1024>}, {transform_indices = @transform_1, window_bounds = array<i64: 1, 1024, 1024>}, {transform_indices = @transform_2, window_bounds = array<i64: 1, 1, 1024>}, {transform_indices = @transform_3, window_bounds = array<i64: 1, 1024, 1024>}, {transform_indices = @transform_4, window_bounds = array<i64: 1, 1, 1024>}, {transform_indices = @transform_5, window_bounds = array<i64: 1, 40, 1>}, {pipeline_mode = #tpu.pipeline_mode<synchronous>, transform_indices = @transform_6, window_bounds = array<i64: 2048, 1024>}]} {
    %eq3A = arith.constant 0 : i32
    %eq3A_0 = arith.cmpi eq, %arg0, %eq3A : i32
    %eq3A_1 = arith.constant 0 : i32
    %eq3A_2 = arith.cmpi eq, %arg1, %eq3A_1 : i32
    %and3A = arith.andi %eq3A_0, %eq3A_2 : i1
    %convert_element_type3A = arith.extui %and3A : i1 to i32
    %cond3A = arith.constant 0 : i32
    %cond3A_3 = arith.cmpi ne, %convert_element_type3A, %cond3A : i32
    scf.if %cond3A_3 {
      %broadcast_in_dim3A = arith.constant 0.000000e+00 : f32
      %broadcast_in_dim3A_43 = vector.broadcast %broadcast_in_dim3A : f32 to vector<2048x1024xf32>
      %swap3A = arith.constant 0 : index
      %swap3A_44 = arith.constant 0 : index
      %swap3A_45 = vector.load %arg9[%swap3A, %swap3A_44] : memref<2048x1024xf32, #tpu.memory_space<vmem>>, vector<2048x1024xf32>
      tpu.vector_store %arg9[%swap3A, %swap3A_44], %broadcast_in_dim3A_43 {strides = array<i32>} : memref<2048x1024xf32, #tpu.memory_space<vmem>>, vector<2048x1024xf32>,
    } else {
    }
    %get3A = arith.constant 0 : index
    %get3A_4 = arith.constant 0 : index
    %get3A_5 = arith.constant 0 : index
    %get3A_6 = vector.load %arg3[%get3A, %get3A_4, %get3A_5] : memref<1x40x1024xf32, #tpu.memory_space<vmem>>, vector<1x40x1024xf32>
    %get3A_7 = vector.shape_cast %get3A_6 : vector<1x40x1024xf32> to vector<40x1024xf32>
    %get3A_8 = arith.constant 0 : index
    %get3A_9 = arith.constant 0 : index
    %get3A_10 = arith.constant 0 : index
    %get3A_11 = vector.load %arg4[%get3A_8, %get3A_9, %get3A_10] : memref<1x1024x1024xf32, #tpu.memory_space<vmem>>, vector<1x1024x1024xf32>
    %get3A_12 = vector.shape_cast %get3A_11 : vector<1x1024x1024xf32> to vector<1024x1024xf32>
    %dot_general3A = arith.constant dense<0.000000e+00> : vector<40x1024xf32>
    %dot_general3A_13 = tpu.matmul %get3A_7, %get3A_12, %dot_general3A {dimension_numbers = #tpu.dot_dimension_numbers<[1], [1], [0], [0], [0, 0, 1, 0], [], []>, transpose_lhs_hint = false} : vector<40x1024xf32>, vector<1024x1024xf32>, vector<40x1024xf32> -> vector<40x1024xf32>
    %get3A_14 = arith.constant 0 : index
    %get3A_15 = arith.constant 0 : index
    %get3A_16 = arith.constant 0 : index
    %get3A_17 = vector.load %arg5[%get3A_14, %get3A_15, %get3A_16] : memref<1x1x1024xf32, #tpu.memory_space<vmem>>, vector<1x1x1024xf32>
    %get3A_18 = vector.shape_cast %get3A_17 : vector<1x1x1024xf32> to vector<1x1024xf32>
    %add3A = vector.broadcast %get3A_18 : vector<1x1024xf32> to vector<40x1024xf32>
    %add3A_19 = arith.addf %dot_general3A_13, %add3A : vector<40x1024xf32>
    %max3A = arith.constant 0.000000e+00 : f32
    %max3A_20 = vector.broadcast %max3A : f32 to vector<40x1024xf32>
    %max3A_21 = arith.maximumf %add3A_19, %max3A_20 : vector<40x1024xf32>
    %get3A_22 = arith.constant 0 : index
    %get3A_23 = arith.constant 0 : index
    %get3A_24 = arith.constant 0 : index
    %get3A_25 = vector.load %arg6[%get3A_22, %get3A_23, %get3A_24] : memref<1x1024x1024xf32, #tpu.memory_space<vmem>>, vector<1x1024x1024xf32>
    %get3A_26 = vector.shape_cast %get3A_25 : vector<1x1024x1024xf32> to vector<1024x1024xf32>
    %dot_general3A_27 = arith.constant dense<0.000000e+00> : vector<40x1024xf32>
    %dot_general3A_28 = tpu.matmul %max3A_21, %get3A_26, %dot_general3A_27 {dimension_numbers = #tpu.dot_dimension_numbers<[1], [1], [0], [0], [0, 0, 1, 0], [], []>, transpose_lhs_hint = false} : vector<40x1024xf32>, vector<1024x1024xf32>, vector<40x1024xf32> -> vector<40x1024xf32>
    %eq3A_29 = arith.constant 0 : i32
    %eq3A_30 = arith.cmpi eq, %arg1, %eq3A_29 : i32
    %convert_element_type3A_31 = arith.extui %eq3A_30 : i1 to i32
    %cond3A_32 = arith.constant 0 : i32
    %cond3A_33 = arith.cmpi ne, %convert_element_type3A_31, %cond3A_32 : i32
    scf.if %cond3A_33 {
      %swap3A = arith.constant 0 : index
      %swap3A_43 = arith.constant 0 : index
      %swap3A_44 = vector.load %arg10[%swap3A, %swap3A_43] : memref<40x1024xf32, #tpu.memory_space<vmem>>, vector<40x1024xf32>
      tpu.vector_store %arg10[%swap3A, %swap3A_43], %dot_general3A_28 {strides = array<i32>} : memref<40x1024xf32, #tpu.memory_space<vmem>>, vector<40x1024xf32>,
    } else {
    }
    %gt3A = arith.constant 0 : i32
    %gt3A_34 = arith.cmpi sgt, %arg1, %gt3A : i32
    %convert_element_type3A_35 = arith.extui %gt3A_34 : i1 to i32
    %cond3A_36 = arith.constant 0 : i32
    %cond3A_37 = arith.cmpi ne, %convert_element_type3A_35, %cond3A_36 : i32
    scf.if %cond3A_37 {
      %get3A_43 = arith.constant 0 : index
      %get3A_44 = arith.constant 0 : index
      %get3A_45 = vector.load %arg10[%get3A_43, %get3A_44] : memref<40x1024xf32, #tpu.memory_space<vmem>>, vector<40x1024xf32>
      %add3A_46 = arith.addf %get3A_45, %dot_general3A_28 : vector<40x1024xf32>
      %swap3A = arith.constant 0 : index
      %swap3A_47 = arith.constant 0 : index
      %swap3A_48 = vector.load %arg10[%swap3A, %swap3A_47] : memref<40x1024xf32, #tpu.memory_space<vmem>>, vector<40x1024xf32>
      tpu.vector_store %arg10[%swap3A, %swap3A_47], %add3A_46 {strides = array<i32>} : memref<40x1024xf32, #tpu.memory_space<vmem>>, vector<40x1024xf32>,
    } else {
    }
    %eq3A_38 = arith.constant 3 : i32
    %eq3A_39 = arith.cmpi eq, %arg1, %eq3A_38 : i32
    %convert_element_type3A_40 = arith.extui %eq3A_39 : i1 to i32
    %cond3A_41 = arith.constant 0 : i32
    %cond3A_42 = arith.cmpi ne, %convert_element_type3A_40, %cond3A_41 : i32
    scf.if %cond3A_42 {
      %get3A_43 = arith.constant 0 : index
      %get3A_44 = arith.constant 0 : index
      %get3A_45 = vector.load %arg10[%get3A_43, %get3A_44] : memref<40x1024xf32, #tpu.memory_space<vmem>>, vector<40x1024xf32>
      %get3A_46 = arith.constant 0 : index
      %get3A_47 = arith.constant 0 : index
      %get3A_48 = arith.constant 0 : index
      %get3A_49 = vector.load %arg7[%get3A_46, %get3A_47, %get3A_48] : memref<1x1x1024xf32, #tpu.memory_space<vmem>>, vector<1x1x1024xf32>
      %get3A_50 = vector.shape_cast %get3A_49 : vector<1x1x1024xf32> to vector<1x1024xf32>
      %add3A_51 = vector.broadcast %get3A_50 : vector<1x1024xf32> to vector<40x1024xf32>
      %add3A_52 = arith.addf %get3A_45, %add3A_51 : vector<40x1024xf32>
      %get3A_53 = arith.constant 0 : index
      %get3A_54 = arith.constant 0 : index
      %get3A_55 = arith.constant 0 : index
      %get3A_56 = vector.load %arg8[%get3A_53, %get3A_54, %get3A_55] : memref<1x40x1xf32, #tpu.memory_space<vmem>>, vector<1x40x1xf32>
      %get3A_57 = vector.shape_cast %get3A_56 : vector<1x40x1xf32> to vector<40x1xf32>
      %mul3A = vector.broadcast %get3A_57 : vector<40x1xf32> to vector<40x1024xf32>
      %mul3A_58 = arith.mulf %add3A_52, %mul3A : vector<40x1024xf32>
      %mul3A_59 = arith.constant 40 : i32
      %mul3A_60 = arith.muli %arg0, %mul3A_59 : i32
      %add3A_61 = arith.constant 0 : i32
      %add3A_62 = arith.addi %mul3A_60, %add3A_61 : i32
      %get3A_63 = arith.index_cast %add3A_62 : i32 to index
      %get3A_64 = memref.load %arg2[%get3A_63] : memref<2560xi32, #tpu.memory_space<smem>>
      %ge3A = arith.constant 0 : i32
      %ge3A_65 = arith.cmpi sge, %get3A_64, %ge3A : i32
      %convert_element_type3A_66 = arith.extui %ge3A_65 : i1 to i32
      %cond3A_67 = arith.constant 0 : i32
      %cond3A_68 = arith.cmpi ne, %convert_element_type3A_66, %cond3A_67 : i32
      scf.if %cond3A_68 {
        %slice3A = vector.extract_strided_slice %mul3A_58 {offsets = [0, 0], sizes = [1, 1024], strides = [1, 1]} : vector<40x1024xf32> to vector<1x1024xf32>
        %swap3A = arith.index_cast %get3A_64 : i32 to index
        %swap3A_498 = arith.constant 0 : index
        %swap3A_499 = vector.load %arg9[%swap3A, %swap3A_498] : memref<2048x1024xf32, #tpu.memory_space<vmem>>, vector<1x1024xf32>
        tpu.vector_store %arg9[%swap3A, %swap3A_498], %slice3A {strides = array<i32>} : memref<2048x1024xf32, #tpu.memory_space<vmem>>, vector<1x1024xf32>,
      } else {
      }
      %mul3A_69 = arith.constant 40 : i32
      %mul3A_70 = arith.muli %arg0, %mul3A_69 : i32
      %add3A_71 = arith.constant 1 : i32
      %add3A_72 = arith.addi %mul3A_70, %add3A_71 : i32
      %get3A_73 = arith.index_cast %add3A_72 : i32 to index
      %get3A_74 = memref.load %arg2[%get3A_73] : memref<2560xi32, #tpu.memory_space<smem>>
      %ge3A_75 = arith.constant 0 : i32
      %ge3A_76 = arith.cmpi sge, %get3A_74, %ge3A_75 : i32
      %convert_element_type3A_77 = arith.extui %ge3A_76 : i1 to i32
      %cond3A_78 = arith.constant 0 : i32
      %cond3A_79 = arith.cmpi ne, %convert_element_type3A_77, %cond3A_78 : i32
      scf.if %cond3A_79 {
        %slice3A = vector.extract_strided_slice %mul3A_58 {offsets = [1, 0], sizes = [1, 1024], strides = [1, 1]} : vector<40x1024xf32> to vector<1x1024xf32>
        %swap3A = arith.index_cast %get3A_74 : i32 to index
        %swap3A_498 = arith.constant 0 : index
        %swap3A_499 = vector.load %arg9[%swap3A, %swap3A_498] : memref<2048x1024xf32, #tpu.memory_space<vmem>>, vector<1x1024xf32>
        tpu.vector_store %arg9[%swap3A, %swap3A_498], %slice3A {strides = array<i32>} : memref<2048x1024xf32, #tpu.memory_space<vmem>>, vector<1x1024xf32>,
      } else {
      }
      %mul3A_80 = arith.constant 40 : i32
      %mul3A_81 = arith.muli %arg0, %mul3A_80 : i32
      %add3A_82 = arith.constant 2 : i32
      %add3A_83 = arith.addi %mul3A_81, %add3A_82 : i32
      %get3A_84 = arith.index_cast %add3A_83 : i32 to index
      %get3A_85 = memref.load %arg2[%get3A_84] : memref<2560xi32, #tpu.memory_space<smem>>
      %ge3A_86 = arith.constant 0 : i32
      %ge3A_87 = arith.cmpi sge, %get3A_85, %ge3A_86 : i32
      %convert_element_type3A_88 = arith.extui %ge3A_87 : i1 to i32
      %cond3A_89 = arith.constant 0 : i32
      %cond3A_90 = arith.cmpi ne, %convert_element_type3A_88, %cond3A_89 : i32
      scf.if %cond3A_90 {
        %slice3A = vector.extract_strided_slice %mul3A_58 {offsets = [2, 0], sizes = [1, 1024], strides = [1, 1]} : vector<40x1024xf32> to vector<1x1024xf32>
        %swap3A = arith.index_cast %get3A_85 : i32 to index
        %swap3A_498 = arith.constant 0 : index
        %swap3A_499 = vector.load %arg9[%swap3A, %swap3A_498] : memref<2048x1024xf32, #tpu.memory_space<vmem>>, vector<1x1024xf32>
        tpu.vector_store %arg9[%swap3A, %swap3A_498], %slice3A {strides = array<i32>} : memref<2048x1024xf32, #tpu.memory_space<vmem>>, vector<1x1024xf32>,
      } else {
      }
      %mul3A_91 = arith.constant 40 : i32
      %mul3A_92 = arith.muli %arg0, %mul3A_91 : i32
      %add3A_93 = arith.constant 3 : i32
      %add3A_94 = arith.addi %mul3A_92, %add3A_93 : i32
      %get3A_95 = arith.index_cast %add3A_94 : i32 to index
      %get3A_96 = memref.load %arg2[%get3A_95] : memref<2560xi32, #tpu.memory_space<smem>>
      %ge3A_97 = arith.constant 0 : i32
      %ge3A_98 = arith.cmpi sge, %get3A_96, %ge3A_97 : i32
      %convert_element_type3A_99 = arith.extui %ge3A_98 : i1 to i32
      %cond3A_100 = arith.constant 0 : i32
      %cond3A_101 = arith.cmpi ne, %convert_element_type3A_99, %cond3A_100 : i32
      scf.if %cond3A_101 {
        %slice3A = vector.extract_strided_slice %mul3A_58 {offsets = [3, 0], sizes = [1, 1024], strides = [1, 1]} : vector<40x1024xf32> to vector<1x1024xf32>
        %swap3A = arith.index_cast %get3A_96 : i32 to index
        %swap3A_498 = arith.constant 0 : index
        %swap3A_499 = vector.load %arg9[%swap3A, %swap3A_498] : memref<2048x1024xf32, #tpu.memory_space<vmem>>, vector<1x1024xf32>
        tpu.vector_store %arg9[%swap3A, %swap3A_498], %slice3A {strides = array<i32>} : memref<2048x1024xf32, #tpu.memory_space<vmem>>, vector<1x1024xf32>,
      } else {
      }
      %mul3A_102 = arith.constant 40 : i32
      %mul3A_103 = arith.muli %arg0, %mul3A_102 : i32
      %add3A_104 = arith.constant 4 : i32
      %add3A_105 = arith.addi %mul3A_103, %add3A_104 : i32
      %get3A_106 = arith.index_cast %add3A_105 : i32 to index
      %get3A_107 = memref.load %arg2[%get3A_106] : memref<2560xi32, #tpu.memory_space<smem>>
      %ge3A_108 = arith.constant 0 : i32
      %ge3A_109 = arith.cmpi sge, %get3A_107, %ge3A_108 : i32
      %convert_element_type3A_110 = arith.extui %ge3A_109 : i1 to i32
      %cond3A_111 = arith.constant 0 : i32
      %cond3A_112 = arith.cmpi ne, %convert_element_type3A_110, %cond3A_111 : i32
      scf.if %cond3A_112 {
        %slice3A = vector.extract_strided_slice %mul3A_58 {offsets = [4, 0], sizes = [1, 1024], strides = [1, 1]} : vector<40x1024xf32> to vector<1x1024xf32>
        %swap3A = arith.index_cast %get3A_107 : i32 to index
        %swap3A_498 = arith.constant 0 : index
        %swap3A_499 = vector.load %arg9[%swap3A, %swap3A_498] : memref<2048x1024xf32, #tpu.memory_space<vmem>>, vector<1x1024xf32>
        tpu.vector_store %arg9[%swap3A, %swap3A_498], %slice3A {strides = array<i32>} : memref<2048x1024xf32, #tpu.memory_space<vmem>>, vector<1x1024xf32>,
      } else {
      }
      %mul3A_113 = arith.constant 40 : i32
      %mul3A_114 = arith.muli %arg0, %mul3A_113 : i32
      %add3A_115 = arith.constant 5 : i32
      %add3A_116 = arith.addi %mul3A_114, %add3A_115 : i32
      %get3A_117 = arith.index_cast %add3A_116 : i32 to index
      %get3A_118 = memref.load %arg2[%get3A_117] : memref<2560xi32, #tpu.memory_space<smem>>
      %ge3A_119 = arith.constant 0 : i32
      %ge3A_120 = arith.cmpi sge, %get3A_118, %ge3A_119 : i32
      %convert_element_type3A_121 = arith.extui %ge3A_120 : i1 to i32
      %cond3A_122 = arith.constant 0 : i32
      %cond3A_123 = arith.cmpi ne, %convert_element_type3A_121, %cond3A_122 : i32
      scf.if %cond3A_123 {
        %slice3A = vector.extract_strided_slice %mul3A_58 {offsets = [5, 0], sizes = [1, 1024], strides = [1, 1]} : vector<40x1024xf32> to vector<1x1024xf32>
        %swap3A = arith.index_cast %get3A_118 : i32 to index
        %swap3A_498 = arith.constant 0 : index
        %swap3A_499 = vector.load %arg9[%swap3A, %swap3A_498] : memref<2048x1024xf32, #tpu.memory_space<vmem>>, vector<1x1024xf32>
        tpu.vector_store %arg9[%swap3A, %swap3A_498], %slice3A {strides = array<i32>} : memref<2048x1024xf32, #tpu.memory_space<vmem>>, vector<1x1024xf32>,
      } else {
      }
      %mul3A_124 = arith.constant 40 : i32
      %mul3A_125 = arith.muli %arg0, %mul3A_124 : i32
      %add3A_126 = arith.constant 6 : i32
      %add3A_127 = arith.addi %mul3A_125, %add3A_126 : i32
      %get3A_128 = arith.index_cast %add3A_127 : i32 to index
      %get3A_129 = memref.load %arg2[%get3A_128] : memref<2560xi32, #tpu.memory_space<smem>>
      %ge3A_130 = arith.constant 0 : i32
      %ge3A_131 = arith.cmpi sge, %get3A_129, %ge3A_130 : i32
      %convert_element_type3A_132 = arith.extui %ge3A_131 : i1 to i32
      %cond3A_133 = arith.constant 0 : i32
      %cond3A_134 = arith.cmpi ne, %convert_element_type3A_132, %cond3A_133 : i32
      scf.if %cond3A_134 {
        %slice3A = vector.extract_strided_slice %mul3A_58 {offsets = [6, 0], sizes = [1, 1024], strides = [1, 1]} : vector<40x1024xf32> to vector<1x1024xf32>
        %swap3A = arith.index_cast %get3A_129 : i32 to index
        %swap3A_498 = arith.constant 0 : index
        %swap3A_499 = vector.load %arg9[%swap3A, %swap3A_498] : memref<2048x1024xf32, #tpu.memory_space<vmem>>, vector<1x1024xf32>
        tpu.vector_store %arg9[%swap3A, %swap3A_498], %slice3A {strides = array<i32>} : memref<2048x1024xf32, #tpu.memory_space<vmem>>, vector<1x1024xf32>,
      } else {
      }
      %mul3A_135 = arith.constant 40 : i32
      %mul3A_136 = arith.muli %arg0, %mul3A_135 : i32
      %add3A_137 = arith.constant 7 : i32
      %add3A_138 = arith.addi %mul3A_136, %add3A_137 : i32
      %get3A_139 = arith.index_cast %add3A_138 : i32 to index
      %get3A_140 = memref.load %arg2[%get3A_139] : memref<2560xi32, #tpu.memory_space<smem>>
      %ge3A_141 = arith.constant 0 : i32
      %ge3A_142 = arith.cmpi sge, %get3A_140, %ge3A_141 : i32
      %convert_element_type3A_143 = arith.extui %ge3A_142 : i1 to i32
      %cond3A_144 = arith.constant 0 : i32
      %cond3A_145 = arith.cmpi ne, %convert_element_type3A_143, %cond3A_144 : i32
      scf.if %cond3A_145 {
        %slice3A = vector.extract_strided_slice %mul3A_58 {offsets = [7, 0], sizes = [1, 1024], strides = [1, 1]} : vector<40x1024xf32> to vector<1x1024xf32>
        %swap3A = arith.index_cast %get3A_140 : i32 to index
        %swap3A_498 = arith.constant 0 : index
        %swap3A_499 = vector.load %arg9[%swap3A, %swap3A_498] : memref<2048x1024xf32, #tpu.memory_space<vmem>>, vector<1x1024xf32>
        tpu.vector_store %arg9[%swap3A, %swap3A_498], %slice3A {strides = array<i32>} : memref<2048x1024xf32, #tpu.memory_space<vmem>>, vector<1x1024xf32>,
      } else {
      }
      %mul3A_146 = arith.constant 40 : i32
      %mul3A_147 = arith.muli %arg0, %mul3A_146 : i32
      %add3A_148 = arith.constant 8 : i32
      %add3A_149 = arith.addi %mul3A_147, %add3A_148 : i32
      %get3A_150 = arith.index_cast %add3A_149 : i32 to index
      %get3A_151 = memref.load %arg2[%get3A_150] : memref<2560xi32, #tpu.memory_space<smem>>
      %ge3A_152 = arith.constant 0 : i32
      %ge3A_153 = arith.cmpi sge, %get3A_151, %ge3A_152 : i32
      %convert_element_type3A_154 = arith.extui %ge3A_153 : i1 to i32
      %cond3A_155 = arith.constant 0 : i32
      %cond3A_156 = arith.cmpi ne, %convert_element_type3A_154, %cond3A_155 : i32
      scf.if %cond3A_156 {
        %slice3A = vector.extract_strided_slice %mul3A_58 {offsets = [8, 0], sizes = [1, 1024], strides = [1, 1]} : vector<40x1024xf32> to vector<1x1024xf32>
        %swap3A = arith.index_cast %get3A_151 : i32 to index
        %swap3A_498 = arith.constant 0 : index
        %swap3A_499 = vector.load %arg9[%swap3A, %swap3A_498] : memref<2048x1024xf32, #tpu.memory_space<vmem>>, vector<1x1024xf32>
        tpu.vector_store %arg9[%swap3A, %swap3A_498], %slice3A {strides = array<i32>} : memref<2048x1024xf32, #tpu.memory_space<vmem>>, vector<1x1024xf32>,
      } else {
      }
      %mul3A_157 = arith.constant 40 : i32
      %mul3A_158 = arith.muli %arg0, %mul3A_157 : i32
      %add3A_159 = arith.constant 9 : i32
      %add3A_160 = arith.addi %mul3A_158, %add3A_159 : i32
      %get3A_161 = arith.index_cast %add3A_160 : i32 to index
      %get3A_162 = memref.load %arg2[%get3A_161] : memref<2560xi32, #tpu.memory_space<smem>>
      %ge3A_163 = arith.constant 0 : i32
      %ge3A_164 = arith.cmpi sge, %get3A_162, %ge3A_163 : i32
      %convert_element_type3A_165 = arith.extui %ge3A_164 : i1 to i32
      %cond3A_166 = arith.constant 0 : i32
      %cond3A_167 = arith.cmpi ne, %convert_element_type3A_165, %cond3A_166 : i32
      scf.if %cond3A_167 {
        %slice3A = vector.extract_strided_slice %mul3A_58 {offsets = [9, 0], sizes = [1, 1024], strides = [1, 1]} : vector<40x1024xf32> to vector<1x1024xf32>
        %swap3A = arith.index_cast %get3A_162 : i32 to index
        %swap3A_498 = arith.constant 0 : index
        %swap3A_499 = vector.load %arg9[%swap3A, %swap3A_498] : memref<2048x1024xf32, #tpu.memory_space<vmem>>, vector<1x1024xf32>
        tpu.vector_store %arg9[%swap3A, %swap3A_498], %slice3A {strides = array<i32>} : memref<2048x1024xf32, #tpu.memory_space<vmem>>, vector<1x1024xf32>,
      } else {
      }
      %mul3A_168 = arith.constant 40 : i32
      %mul3A_169 = arith.muli %arg0, %mul3A_168 : i32
      %add3A_170 = arith.constant 10 : i32
      %add3A_171 = arith.addi %mul3A_169, %add3A_170 : i32
      %get3A_172 = arith.index_cast %add3A_171 : i32 to index
      %get3A_173 = memref.load %arg2[%get3A_172] : memref<2560xi32, #tpu.memory_space<smem>>
      %ge3A_174 = arith.constant 0 : i32
      %ge3A_175 = arith.cmpi sge, %get3A_173, %ge3A_174 : i32
      %convert_element_type3A_176 = arith.extui %ge3A_175 : i1 to i32
      %cond3A_177 = arith.constant 0 : i32
      %cond3A_178 = arith.cmpi ne, %convert_element_type3A_176, %cond3A_177 : i32
      scf.if %cond3A_178 {
        %slice3A = vector.extract_strided_slice %mul3A_58 {offsets = [10, 0], sizes = [1, 1024], strides = [1, 1]} : vector<40x1024xf32> to vector<1x1024xf32>
        %swap3A = arith.index_cast %get3A_173 : i32 to index
        %swap3A_498 = arith.constant 0 : index
        %swap3A_499 = vector.load %arg9[%swap3A, %swap3A_498] : memref<2048x1024xf32, #tpu.memory_space<vmem>>, vector<1x1024xf32>
        tpu.vector_store %arg9[%swap3A, %swap3A_498], %slice3A {strides = array<i32>} : memref<2048x1024xf32, #tpu.memory_space<vmem>>, vector<1x1024xf32>,
      } else {
      }
      %mul3A_179 = arith.constant 40 : i32
      %mul3A_180 = arith.muli %arg0, %mul3A_179 : i32
      %add3A_181 = arith.constant 11 : i32
      %add3A_182 = arith.addi %mul3A_180, %add3A_181 : i32
      %get3A_183 = arith.index_cast %add3A_182 : i32 to index
      %get3A_184 = memref.load %arg2[%get3A_183] : memref<2560xi32, #tpu.memory_space<smem>>
      %ge3A_185 = arith.constant 0 : i32
      %ge3A_186 = arith.cmpi sge, %get3A_184, %ge3A_185 : i32
      %convert_element_type3A_187 = arith.extui %ge3A_186 : i1 to i32
      %cond3A_188 = arith.constant 0 : i32
      %cond3A_189 = arith.cmpi ne, %convert_element_type3A_187, %cond3A_188 : i32
      scf.if %cond3A_189 {
        %slice3A = vector.extract_strided_slice %mul3A_58 {offsets = [11, 0], sizes = [1, 1024], strides = [1, 1]} : vector<40x1024xf32> to vector<1x1024xf32>
        %swap3A = arith.index_cast %get3A_184 : i32 to index
        %swap3A_498 = arith.constant 0 : index
        %swap3A_499 = vector.load %arg9[%swap3A, %swap3A_498] : memref<2048x1024xf32, #tpu.memory_space<vmem>>, vector<1x1024xf32>
        tpu.vector_store %arg9[%swap3A, %swap3A_498], %slice3A {strides = array<i32>} : memref<2048x1024xf32, #tpu.memory_space<vmem>>, vector<1x1024xf32>,
      } else {
      }
      %mul3A_190 = arith.constant 40 : i32
      %mul3A_191 = arith.muli %arg0, %mul3A_190 : i32
      %add3A_192 = arith.constant 12 : i32
      %add3A_193 = arith.addi %mul3A_191, %add3A_192 : i32
      %get3A_194 = arith.index_cast %add3A_193 : i32 to index
      %get3A_195 = memref.load %arg2[%get3A_194] : memref<2560xi32, #tpu.memory_space<smem>>
      %ge3A_196 = arith.constant 0 : i32
      %ge3A_197 = arith.cmpi sge, %get3A_195, %ge3A_196 : i32
      %convert_element_type3A_198 = arith.extui %ge3A_197 : i1 to i32
      %cond3A_199 = arith.constant 0 : i32
      %cond3A_200 = arith.cmpi ne, %convert_element_type3A_198, %cond3A_199 : i32
      scf.if %cond3A_200 {
        %slice3A = vector.extract_strided_slice %mul3A_58 {offsets = [12, 0], sizes = [1, 1024], strides = [1, 1]} : vector<40x1024xf32> to vector<1x1024xf32>
        %swap3A = arith.index_cast %get3A_195 : i32 to index
        %swap3A_498 = arith.constant 0 : index
        %swap3A_499 = vector.load %arg9[%swap3A, %swap3A_498] : memref<2048x1024xf32, #tpu.memory_space<vmem>>, vector<1x1024xf32>
        tpu.vector_store %arg9[%swap3A, %swap3A_498], %slice3A {strides = array<i32>} : memref<2048x1024xf32, #tpu.memory_space<vmem>>, vector<1x1024xf32>,
      } else {
      }
      %mul3A_201 = arith.constant 40 : i32
      %mul3A_202 = arith.muli %arg0, %mul3A_201 : i32
      %add3A_203 = arith.constant 13 : i32
      %add3A_204 = arith.addi %mul3A_202, %add3A_203 : i32
      %get3A_205 = arith.index_cast %add3A_204 : i32 to index
      %get3A_206 = memref.load %arg2[%get3A_205] : memref<2560xi32, #tpu.memory_space<smem>>
      %ge3A_207 = arith.constant 0 : i32
      %ge3A_208 = arith.cmpi sge, %get3A_206, %ge3A_207 : i32
      %convert_element_type3A_209 = arith.extui %ge3A_208 : i1 to i32
      %cond3A_210 = arith.constant 0 : i32
      %cond3A_211 = arith.cmpi ne, %convert_element_type3A_209, %cond3A_210 : i32
      scf.if %cond3A_211 {
        %slice3A = vector.extract_strided_slice %mul3A_58 {offsets = [13, 0], sizes = [1, 1024], strides = [1, 1]} : vector<40x1024xf32> to vector<1x1024xf32>
        %swap3A = arith.index_cast %get3A_206 : i32 to index
        %swap3A_498 = arith.constant 0 : index
        %swap3A_499 = vector.load %arg9[%swap3A, %swap3A_498] : memref<2048x1024xf32, #tpu.memory_space<vmem>>, vector<1x1024xf32>
        tpu.vector_store %arg9[%swap3A, %swap3A_498], %slice3A {strides = array<i32>} : memref<2048x1024xf32, #tpu.memory_space<vmem>>, vector<1x1024xf32>,
      } else {
      }
      %mul3A_212 = arith.constant 40 : i32
      %mul3A_213 = arith.muli %arg0, %mul3A_212 : i32
      %add3A_214 = arith.constant 14 : i32
      %add3A_215 = arith.addi %mul3A_213, %add3A_214 : i32
      %get3A_216 = arith.index_cast %add3A_215 : i32 to index
      %get3A_217 = memref.load %arg2[%get3A_216] : memref<2560xi32, #tpu.memory_space<smem>>
      %ge3A_218 = arith.constant 0 : i32
      %ge3A_219 = arith.cmpi sge, %get3A_217, %ge3A_218 : i32
      %convert_element_type3A_220 = arith.extui %ge3A_219 : i1 to i32
      %cond3A_221 = arith.constant 0 : i32
      %cond3A_222 = arith.cmpi ne, %convert_element_type3A_220, %cond3A_221 : i32
      scf.if %cond3A_222 {
        %slice3A = vector.extract_strided_slice %mul3A_58 {offsets = [14, 0], sizes = [1, 1024], strides = [1, 1]} : vector<40x1024xf32> to vector<1x1024xf32>
        %swap3A = arith.index_cast %get3A_217 : i32 to index
        %swap3A_498 = arith.constant 0 : index
        %swap3A_499 = vector.load %arg9[%swap3A, %swap3A_498] : memref<2048x1024xf32, #tpu.memory_space<vmem>>, vector<1x1024xf32>
        tpu.vector_store %arg9[%swap3A, %swap3A_498], %slice3A {strides = array<i32>} : memref<2048x1024xf32, #tpu.memory_space<vmem>>, vector<1x1024xf32>,
      } else {
      }
      %mul3A_223 = arith.constant 40 : i32
      %mul3A_224 = arith.muli %arg0, %mul3A_223 : i32
      %add3A_225 = arith.constant 15 : i32
      %add3A_226 = arith.addi %mul3A_224, %add3A_225 : i32
      %get3A_227 = arith.index_cast %add3A_226 : i32 to index
      %get3A_228 = memref.load %arg2[%get3A_227] : memref<2560xi32, #tpu.memory_space<smem>>
      %ge3A_229 = arith.constant 0 : i32
      %ge3A_230 = arith.cmpi sge, %get3A_228, %ge3A_229 : i32
      %convert_element_type3A_231 = arith.extui %ge3A_230 : i1 to i32
      %cond3A_232 = arith.constant 0 : i32
      %cond3A_233 = arith.cmpi ne, %convert_element_type3A_231, %cond3A_232 : i32
      scf.if %cond3A_233 {
        %slice3A = vector.extract_strided_slice %mul3A_58 {offsets = [15, 0], sizes = [1, 1024], strides = [1, 1]} : vector<40x1024xf32> to vector<1x1024xf32>
        %swap3A = arith.index_cast %get3A_228 : i32 to index
        %swap3A_498 = arith.constant 0 : index
        %swap3A_499 = vector.load %arg9[%swap3A, %swap3A_498] : memref<2048x1024xf32, #tpu.memory_space<vmem>>, vector<1x1024xf32>
        tpu.vector_store %arg9[%swap3A, %swap3A_498], %slice3A {strides = array<i32>} : memref<2048x1024xf32, #tpu.memory_space<vmem>>, vector<1x1024xf32>,
      } else {
      }
      %mul3A_234 = arith.constant 40 : i32
      %mul3A_235 = arith.muli %arg0, %mul3A_234 : i32
      %add3A_236 = arith.constant 16 : i32
      %add3A_237 = arith.addi %mul3A_235, %add3A_236 : i32
      %get3A_238 = arith.index_cast %add3A_237 : i32 to index
      %get3A_239 = memref.load %arg2[%get3A_238] : memref<2560xi32, #tpu.memory_space<smem>>
      %ge3A_240 = arith.constant 0 : i32
      %ge3A_241 = arith.cmpi sge, %get3A_239, %ge3A_240 : i32
      %convert_element_type3A_242 = arith.extui %ge3A_241 : i1 to i32
      %cond3A_243 = arith.constant 0 : i32
      %cond3A_244 = arith.cmpi ne, %convert_element_type3A_242, %cond3A_243 : i32
      scf.if %cond3A_244 {
        %slice3A = vector.extract_strided_slice %mul3A_58 {offsets = [16, 0], sizes = [1, 1024], strides = [1, 1]} : vector<40x1024xf32> to vector<1x1024xf32>
        %swap3A = arith.index_cast %get3A_239 : i32 to index
        %swap3A_498 = arith.constant 0 : index
        %swap3A_499 = vector.load %arg9[%swap3A, %swap3A_498] : memref<2048x1024xf32, #tpu.memory_space<vmem>>, vector<1x1024xf32>
        tpu.vector_store %arg9[%swap3A, %swap3A_498], %slice3A {strides = array<i32>} : memref<2048x1024xf32, #tpu.memory_space<vmem>>, vector<1x1024xf32>,
      } else {
      }
      %mul3A_245 = arith.constant 40 : i32
      %mul3A_246 = arith.muli %arg0, %mul3A_245 : i32
      %add3A_247 = arith.constant 17 : i32
      %add3A_248 = arith.addi %mul3A_246, %add3A_247 : i32
      %get3A_249 = arith.index_cast %add3A_248 : i32 to index
      %get3A_250 = memref.load %arg2[%get3A_249] : memref<2560xi32, #tpu.memory_space<smem>>
      %ge3A_251 = arith.constant 0 : i32
      %ge3A_252 = arith.cmpi sge, %get3A_250, %ge3A_251 : i32
      %convert_element_type3A_253 = arith.extui %ge3A_252 : i1 to i32
      %cond3A_254 = arith.constant 0 : i32
      %cond3A_255 = arith.cmpi ne, %convert_element_type3A_253, %cond3A_254 : i32
      scf.if %cond3A_255 {
        %slice3A = vector.extract_strided_slice %mul3A_58 {offsets = [17, 0], sizes = [1, 1024], strides = [1, 1]} : vector<40x1024xf32> to vector<1x1024xf32>
        %swap3A = arith.index_cast %get3A_250 : i32 to index
        %swap3A_498 = arith.constant 0 : index
        %swap3A_499 = vector.load %arg9[%swap3A, %swap3A_498] : memref<2048x1024xf32, #tpu.memory_space<vmem>>, vector<1x1024xf32>
        tpu.vector_store %arg9[%swap3A, %swap3A_498], %slice3A {strides = array<i32>} : memref<2048x1024xf32, #tpu.memory_space<vmem>>, vector<1x1024xf32>,
      } else {
      }
      %mul3A_256 = arith.constant 40 : i32
      %mul3A_257 = arith.muli %arg0, %mul3A_256 : i32
      %add3A_258 = arith.constant 18 : i32
      %add3A_259 = arith.addi %mul3A_257, %add3A_258 : i32
      %get3A_260 = arith.index_cast %add3A_259 : i32 to index
      %get3A_261 = memref.load %arg2[%get3A_260] : memref<2560xi32, #tpu.memory_space<smem>>
      %ge3A_262 = arith.constant 0 : i32
      %ge3A_263 = arith.cmpi sge, %get3A_261, %ge3A_262 : i32
      %convert_element_type3A_264 = arith.extui %ge3A_263 : i1 to i32
      %cond3A_265 = arith.constant 0 : i32
      %cond3A_266 = arith.cmpi ne, %convert_element_type3A_264, %cond3A_265 : i32
      scf.if %cond3A_266 {
        %slice3A = vector.extract_strided_slice %mul3A_58 {offsets = [18, 0], sizes = [1, 1024], strides = [1, 1]} : vector<40x1024xf32> to vector<1x1024xf32>
        %swap3A = arith.index_cast %get3A_261 : i32 to index
        %swap3A_498 = arith.constant 0 : index
        %swap3A_499 = vector.load %arg9[%swap3A, %swap3A_498] : memref<2048x1024xf32, #tpu.memory_space<vmem>>, vector<1x1024xf32>
        tpu.vector_store %arg9[%swap3A, %swap3A_498], %slice3A {strides = array<i32>} : memref<2048x1024xf32, #tpu.memory_space<vmem>>, vector<1x1024xf32>,
      } else {
      }
      %mul3A_267 = arith.constant 40 : i32
      %mul3A_268 = arith.muli %arg0, %mul3A_267 : i32
      %add3A_269 = arith.constant 19 : i32
      %add3A_270 = arith.addi %mul3A_268, %add3A_269 : i32
      %get3A_271 = arith.index_cast %add3A_270 : i32 to index
      %get3A_272 = memref.load %arg2[%get3A_271] : memref<2560xi32, #tpu.memory_space<smem>>
      %ge3A_273 = arith.constant 0 : i32
      %ge3A_274 = arith.cmpi sge, %get3A_272, %ge3A_273 : i32
      %convert_element_type3A_275 = arith.extui %ge3A_274 : i1 to i32
      %cond3A_276 = arith.constant 0 : i32
      %cond3A_277 = arith.cmpi ne, %convert_element_type3A_275, %cond3A_276 : i32
      scf.if %cond3A_277 {
        %slice3A = vector.extract_strided_slice %mul3A_58 {offsets = [19, 0], sizes = [1, 1024], strides = [1, 1]} : vector<40x1024xf32> to vector<1x1024xf32>
        %swap3A = arith.index_cast %get3A_272 : i32 to index
        %swap3A_498 = arith.constant 0 : index
        %swap3A_499 = vector.load %arg9[%swap3A, %swap3A_498] : memref<2048x1024xf32, #tpu.memory_space<vmem>>, vector<1x1024xf32>
        tpu.vector_store %arg9[%swap3A, %swap3A_498], %slice3A {strides = array<i32>} : memref<2048x1024xf32, #tpu.memory_space<vmem>>, vector<1x1024xf32>,
      } else {
      }
      %mul3A_278 = arith.constant 40 : i32
      %mul3A_279 = arith.muli %arg0, %mul3A_278 : i32
      %add3A_280 = arith.constant 20 : i32
      %add3A_281 = arith.addi %mul3A_279, %add3A_280 : i32
      %get3A_282 = arith.index_cast %add3A_281 : i32 to index
      %get3A_283 = memref.load %arg2[%get3A_282] : memref<2560xi32, #tpu.memory_space<smem>>
      %ge3A_284 = arith.constant 0 : i32
      %ge3A_285 = arith.cmpi sge, %get3A_283, %ge3A_284 : i32
      %convert_element_type3A_286 = arith.extui %ge3A_285 : i1 to i32
      %cond3A_287 = arith.constant 0 : i32
      %cond3A_288 = arith.cmpi ne, %convert_element_type3A_286, %cond3A_287 : i32
      scf.if %cond3A_288 {
        %slice3A = vector.extract_strided_slice %mul3A_58 {offsets = [20, 0], sizes = [1, 1024], strides = [1, 1]} : vector<40x1024xf32> to vector<1x1024xf32>
        %swap3A = arith.index_cast %get3A_283 : i32 to index
        %swap3A_498 = arith.constant 0 : index
        %swap3A_499 = vector.load %arg9[%swap3A, %swap3A_498] : memref<2048x1024xf32, #tpu.memory_space<vmem>>, vector<1x1024xf32>
        tpu.vector_store %arg9[%swap3A, %swap3A_498], %slice3A {strides = array<i32>} : memref<2048x1024xf32, #tpu.memory_space<vmem>>, vector<1x1024xf32>,
      } else {
      }
      %mul3A_289 = arith.constant 40 : i32
      %mul3A_290 = arith.muli %arg0, %mul3A_289 : i32
      %add3A_291 = arith.constant 21 : i32
      %add3A_292 = arith.addi %mul3A_290, %add3A_291 : i32
      %get3A_293 = arith.index_cast %add3A_292 : i32 to index
      %get3A_294 = memref.load %arg2[%get3A_293] : memref<2560xi32, #tpu.memory_space<smem>>
      %ge3A_295 = arith.constant 0 : i32
      %ge3A_296 = arith.cmpi sge, %get3A_294, %ge3A_295 : i32
      %convert_element_type3A_297 = arith.extui %ge3A_296 : i1 to i32
      %cond3A_298 = arith.constant 0 : i32
      %cond3A_299 = arith.cmpi ne, %convert_element_type3A_297, %cond3A_298 : i32
      scf.if %cond3A_299 {
        %slice3A = vector.extract_strided_slice %mul3A_58 {offsets = [21, 0], sizes = [1, 1024], strides = [1, 1]} : vector<40x1024xf32> to vector<1x1024xf32>
        %swap3A = arith.index_cast %get3A_294 : i32 to index
        %swap3A_498 = arith.constant 0 : index
        %swap3A_499 = vector.load %arg9[%swap3A, %swap3A_498] : memref<2048x1024xf32, #tpu.memory_space<vmem>>, vector<1x1024xf32>
        tpu.vector_store %arg9[%swap3A, %swap3A_498], %slice3A {strides = array<i32>} : memref<2048x1024xf32, #tpu.memory_space<vmem>>, vector<1x1024xf32>,
      } else {
      }
      %mul3A_300 = arith.constant 40 : i32
      %mul3A_301 = arith.muli %arg0, %mul3A_300 : i32
      %add3A_302 = arith.constant 22 : i32
      %add3A_303 = arith.addi %mul3A_301, %add3A_302 : i32
      %get3A_304 = arith.index_cast %add3A_303 : i32 to index
      %get3A_305 = memref.load %arg2[%get3A_304] : memref<2560xi32, #tpu.memory_space<smem>>
      %ge3A_306 = arith.constant 0 : i32
      %ge3A_307 = arith.cmpi sge, %get3A_305, %ge3A_306 : i32
      %convert_element_type3A_308 = arith.extui %ge3A_307 : i1 to i32
      %cond3A_309 = arith.constant 0 : i32
      %cond3A_310 = arith.cmpi ne, %convert_element_type3A_308, %cond3A_309 : i32
      scf.if %cond3A_310 {
        %slice3A = vector.extract_strided_slice %mul3A_58 {offsets = [22, 0], sizes = [1, 1024], strides = [1, 1]} : vector<40x1024xf32> to vector<1x1024xf32>
        %swap3A = arith.index_cast %get3A_305 : i32 to index
        %swap3A_498 = arith.constant 0 : index
        %swap3A_499 = vector.load %arg9[%swap3A, %swap3A_498] : memref<2048x1024xf32, #tpu.memory_space<vmem>>, vector<1x1024xf32>
        tpu.vector_store %arg9[%swap3A, %swap3A_498], %slice3A {strides = array<i32>} : memref<2048x1024xf32, #tpu.memory_space<vmem>>, vector<1x1024xf32>,
      } else {
      }
      %mul3A_311 = arith.constant 40 : i32
      %mul3A_312 = arith.muli %arg0, %mul3A_311 : i32
      %add3A_313 = arith.constant 23 : i32
      %add3A_314 = arith.addi %mul3A_312, %add3A_313 : i32
      %get3A_315 = arith.index_cast %add3A_314 : i32 to index
      %get3A_316 = memref.load %arg2[%get3A_315] : memref<2560xi32, #tpu.memory_space<smem>>
      %ge3A_317 = arith.constant 0 : i32
      %ge3A_318 = arith.cmpi sge, %get3A_316, %ge3A_317 : i32
      %convert_element_type3A_319 = arith.extui %ge3A_318 : i1 to i32
      %cond3A_320 = arith.constant 0 : i32
      %cond3A_321 = arith.cmpi ne, %convert_element_type3A_319, %cond3A_320 : i32
      scf.if %cond3A_321 {
        %slice3A = vector.extract_strided_slice %mul3A_58 {offsets = [23, 0], sizes = [1, 1024], strides = [1, 1]} : vector<40x1024xf32> to vector<1x1024xf32>
        %swap3A = arith.index_cast %get3A_316 : i32 to index
        %swap3A_498 = arith.constant 0 : index
        %swap3A_499 = vector.load %arg9[%swap3A, %swap3A_498] : memref<2048x1024xf32, #tpu.memory_space<vmem>>, vector<1x1024xf32>
        tpu.vector_store %arg9[%swap3A, %swap3A_498], %slice3A {strides = array<i32>} : memref<2048x1024xf32, #tpu.memory_space<vmem>>, vector<1x1024xf32>,
      } else {
      }
      %mul3A_322 = arith.constant 40 : i32
      %mul3A_323 = arith.muli %arg0, %mul3A_322 : i32
      %add3A_324 = arith.constant 24 : i32
      %add3A_325 = arith.addi %mul3A_323, %add3A_324 : i32
      %get3A_326 = arith.index_cast %add3A_325 : i32 to index
      %get3A_327 = memref.load %arg2[%get3A_326] : memref<2560xi32, #tpu.memory_space<smem>>
      %ge3A_328 = arith.constant 0 : i32
      %ge3A_329 = arith.cmpi sge, %get3A_327, %ge3A_328 : i32
      %convert_element_type3A_330 = arith.extui %ge3A_329 : i1 to i32
      %cond3A_331 = arith.constant 0 : i32
      %cond3A_332 = arith.cmpi ne, %convert_element_type3A_330, %cond3A_331 : i32
      scf.if %cond3A_332 {
        %slice3A = vector.extract_strided_slice %mul3A_58 {offsets = [24, 0], sizes = [1, 1024], strides = [1, 1]} : vector<40x1024xf32> to vector<1x1024xf32>
        %swap3A = arith.index_cast %get3A_327 : i32 to index
        %swap3A_498 = arith.constant 0 : index
        %swap3A_499 = vector.load %arg9[%swap3A, %swap3A_498] : memref<2048x1024xf32, #tpu.memory_space<vmem>>, vector<1x1024xf32>
        tpu.vector_store %arg9[%swap3A, %swap3A_498], %slice3A {strides = array<i32>} : memref<2048x1024xf32, #tpu.memory_space<vmem>>, vector<1x1024xf32>,
      } else {
      }
      %mul3A_333 = arith.constant 40 : i32
      %mul3A_334 = arith.muli %arg0, %mul3A_333 : i32
      %add3A_335 = arith.constant 25 : i32
      %add3A_336 = arith.addi %mul3A_334, %add3A_335 : i32
      %get3A_337 = arith.index_cast %add3A_336 : i32 to index
      %get3A_338 = memref.load %arg2[%get3A_337] : memref<2560xi32, #tpu.memory_space<smem>>
      %ge3A_339 = arith.constant 0 : i32
      %ge3A_340 = arith.cmpi sge, %get3A_338, %ge3A_339 : i32
      %convert_element_type3A_341 = arith.extui %ge3A_340 : i1 to i32
      %cond3A_342 = arith.constant 0 : i32
      %cond3A_343 = arith.cmpi ne, %convert_element_type3A_341, %cond3A_342 : i32
      scf.if %cond3A_343 {
        %slice3A = vector.extract_strided_slice %mul3A_58 {offsets = [25, 0], sizes = [1, 1024], strides = [1, 1]} : vector<40x1024xf32> to vector<1x1024xf32>
        %swap3A = arith.index_cast %get3A_338 : i32 to index
        %swap3A_498 = arith.constant 0 : index
        %swap3A_499 = vector.load %arg9[%swap3A, %swap3A_498] : memref<2048x1024xf32, #tpu.memory_space<vmem>>, vector<1x1024xf32>
        tpu.vector_store %arg9[%swap3A, %swap3A_498], %slice3A {strides = array<i32>} : memref<2048x1024xf32, #tpu.memory_space<vmem>>, vector<1x1024xf32>,
      } else {
      }
      %mul3A_344 = arith.constant 40 : i32
      %mul3A_345 = arith.muli %arg0, %mul3A_344 : i32
      %add3A_346 = arith.constant 26 : i32
      %add3A_347 = arith.addi %mul3A_345, %add3A_346 : i32
      %get3A_348 = arith.index_cast %add3A_347 : i32 to index
      %get3A_349 = memref.load %arg2[%get3A_348] : memref<2560xi32, #tpu.memory_space<smem>>
      %ge3A_350 = arith.constant 0 : i32
      %ge3A_351 = arith.cmpi sge, %get3A_349, %ge3A_350 : i32
      %convert_element_type3A_352 = arith.extui %ge3A_351 : i1 to i32
      %cond3A_353 = arith.constant 0 : i32
      %cond3A_354 = arith.cmpi ne, %convert_element_type3A_352, %cond3A_353 : i32
      scf.if %cond3A_354 {
        %slice3A = vector.extract_strided_slice %mul3A_58 {offsets = [26, 0], sizes = [1, 1024], strides = [1, 1]} : vector<40x1024xf32> to vector<1x1024xf32>
        %swap3A = arith.index_cast %get3A_349 : i32 to index
        %swap3A_498 = arith.constant 0 : index
        %swap3A_499 = vector.load %arg9[%swap3A, %swap3A_498] : memref<2048x1024xf32, #tpu.memory_space<vmem>>, vector<1x1024xf32>
        tpu.vector_store %arg9[%swap3A, %swap3A_498], %slice3A {strides = array<i32>} : memref<2048x1024xf32, #tpu.memory_space<vmem>>, vector<1x1024xf32>,
      } else {
      }
      %mul3A_355 = arith.constant 40 : i32
      %mul3A_356 = arith.muli %arg0, %mul3A_355 : i32
      %add3A_357 = arith.constant 27 : i32
      %add3A_358 = arith.addi %mul3A_356, %add3A_357 : i32
      %get3A_359 = arith.index_cast %add3A_358 : i32 to index
      %get3A_360 = memref.load %arg2[%get3A_359] : memref<2560xi32, #tpu.memory_space<smem>>
      %ge3A_361 = arith.constant 0 : i32
      %ge3A_362 = arith.cmpi sge, %get3A_360, %ge3A_361 : i32
      %convert_element_type3A_363 = arith.extui %ge3A_362 : i1 to i32
      %cond3A_364 = arith.constant 0 : i32
      %cond3A_365 = arith.cmpi ne, %convert_element_type3A_363, %cond3A_364 : i32
      scf.if %cond3A_365 {
        %slice3A = vector.extract_strided_slice %mul3A_58 {offsets = [27, 0], sizes = [1, 1024], strides = [1, 1]} : vector<40x1024xf32> to vector<1x1024xf32>
        %swap3A = arith.index_cast %get3A_360 : i32 to index
        %swap3A_498 = arith.constant 0 : index
        %swap3A_499 = vector.load %arg9[%swap3A, %swap3A_498] : memref<2048x1024xf32, #tpu.memory_space<vmem>>, vector<1x1024xf32>
        tpu.vector_store %arg9[%swap3A, %swap3A_498], %slice3A {strides = array<i32>} : memref<2048x1024xf32, #tpu.memory_space<vmem>>, vector<1x1024xf32>,
      } else {
      }
      %mul3A_366 = arith.constant 40 : i32
      %mul3A_367 = arith.muli %arg0, %mul3A_366 : i32
      %add3A_368 = arith.constant 28 : i32
      %add3A_369 = arith.addi %mul3A_367, %add3A_368 : i32
      %get3A_370 = arith.index_cast %add3A_369 : i32 to index
      %get3A_371 = memref.load %arg2[%get3A_370] : memref<2560xi32, #tpu.memory_space<smem>>
      %ge3A_372 = arith.constant 0 : i32
      %ge3A_373 = arith.cmpi sge, %get3A_371, %ge3A_372 : i32
      %convert_element_type3A_374 = arith.extui %ge3A_373 : i1 to i32
      %cond3A_375 = arith.constant 0 : i32
      %cond3A_376 = arith.cmpi ne, %convert_element_type3A_374, %cond3A_375 : i32
      scf.if %cond3A_376 {
        %slice3A = vector.extract_strided_slice %mul3A_58 {offsets = [28, 0], sizes = [1, 1024], strides = [1, 1]} : vector<40x1024xf32> to vector<1x1024xf32>
        %swap3A = arith.index_cast %get3A_371 : i32 to index
        %swap3A_498 = arith.constant 0 : index
        %swap3A_499 = vector.load %arg9[%swap3A, %swap3A_498] : memref<2048x1024xf32, #tpu.memory_space<vmem>>, vector<1x1024xf32>
        tpu.vector_store %arg9[%swap3A, %swap3A_498], %slice3A {strides = array<i32>} : memref<2048x1024xf32, #tpu.memory_space<vmem>>, vector<1x1024xf32>,
      } else {
      }
      %mul3A_377 = arith.constant 40 : i32
      %mul3A_378 = arith.muli %arg0, %mul3A_377 : i32
      %add3A_379 = arith.constant 29 : i32
      %add3A_380 = arith.addi %mul3A_378, %add3A_379 : i32
      %get3A_381 = arith.index_cast %add3A_380 : i32 to index
      %get3A_382 = memref.load %arg2[%get3A_381] : memref<2560xi32, #tpu.memory_space<smem>>
      %ge3A_383 = arith.constant 0 : i32
      %ge3A_384 = arith.cmpi sge, %get3A_382, %ge3A_383 : i32
      %convert_element_type3A_385 = arith.extui %ge3A_384 : i1 to i32
      %cond3A_386 = arith.constant 0 : i32
      %cond3A_387 = arith.cmpi ne, %convert_element_type3A_385, %cond3A_386 : i32
      scf.if %cond3A_387 {
        %slice3A = vector.extract_strided_slice %mul3A_58 {offsets = [29, 0], sizes = [1, 1024], strides = [1, 1]} : vector<40x1024xf32> to vector<1x1024xf32>
        %swap3A = arith.index_cast %get3A_382 : i32 to index
        %swap3A_498 = arith.constant 0 : index
        %swap3A_499 = vector.load %arg9[%swap3A, %swap3A_498] : memref<2048x1024xf32, #tpu.memory_space<vmem>>, vector<1x1024xf32>
        tpu.vector_store %arg9[%swap3A, %swap3A_498], %slice3A {strides = array<i32>} : memref<2048x1024xf32, #tpu.memory_space<vmem>>, vector<1x1024xf32>,
      } else {
      }
      %mul3A_388 = arith.constant 40 : i32
      %mul3A_389 = arith.muli %arg0, %mul3A_388 : i32
      %add3A_390 = arith.constant 30 : i32
      %add3A_391 = arith.addi %mul3A_389, %add3A_390 : i32
      %get3A_392 = arith.index_cast %add3A_391 : i32 to index
      %get3A_393 = memref.load %arg2[%get3A_392] : memref<2560xi32, #tpu.memory_space<smem>>
      %ge3A_394 = arith.constant 0 : i32
      %ge3A_395 = arith.cmpi sge, %get3A_393, %ge3A_394 : i32
      %convert_element_type3A_396 = arith.extui %ge3A_395 : i1 to i32
      %cond3A_397 = arith.constant 0 : i32
      %cond3A_398 = arith.cmpi ne, %convert_element_type3A_396, %cond3A_397 : i32
      scf.if %cond3A_398 {
        %slice3A = vector.extract_strided_slice %mul3A_58 {offsets = [30, 0], sizes = [1, 1024], strides = [1, 1]} : vector<40x1024xf32> to vector<1x1024xf32>
        %swap3A = arith.index_cast %get3A_393 : i32 to index
        %swap3A_498 = arith.constant 0 : index
        %swap3A_499 = vector.load %arg9[%swap3A, %swap3A_498] : memref<2048x1024xf32, #tpu.memory_space<vmem>>, vector<1x1024xf32>
        tpu.vector_store %arg9[%swap3A, %swap3A_498], %slice3A {strides = array<i32>} : memref<2048x1024xf32, #tpu.memory_space<vmem>>, vector<1x1024xf32>,
      } else {
      }
      %mul3A_399 = arith.constant 40 : i32
      %mul3A_400 = arith.muli %arg0, %mul3A_399 : i32
      %add3A_401 = arith.constant 31 : i32
      %add3A_402 = arith.addi %mul3A_400, %add3A_401 : i32
      %get3A_403 = arith.index_cast %add3A_402 : i32 to index
      %get3A_404 = memref.load %arg2[%get3A_403] : memref<2560xi32, #tpu.memory_space<smem>>
      %ge3A_405 = arith.constant 0 : i32
      %ge3A_406 = arith.cmpi sge, %get3A_404, %ge3A_405 : i32
      %convert_element_type3A_407 = arith.extui %ge3A_406 : i1 to i32
      %cond3A_408 = arith.constant 0 : i32
      %cond3A_409 = arith.cmpi ne, %convert_element_type3A_407, %cond3A_408 : i32
      scf.if %cond3A_409 {
        %slice3A = vector.extract_strided_slice %mul3A_58 {offsets = [31, 0], sizes = [1, 1024], strides = [1, 1]} : vector<40x1024xf32> to vector<1x1024xf32>
        %swap3A = arith.index_cast %get3A_404 : i32 to index
        %swap3A_498 = arith.constant 0 : index
        %swap3A_499 = vector.load %arg9[%swap3A, %swap3A_498] : memref<2048x1024xf32, #tpu.memory_space<vmem>>, vector<1x1024xf32>
        tpu.vector_store %arg9[%swap3A, %swap3A_498], %slice3A {strides = array<i32>} : memref<2048x1024xf32, #tpu.memory_space<vmem>>, vector<1x1024xf32>,
      } else {
      }
      %mul3A_410 = arith.constant 40 : i32
      %mul3A_411 = arith.muli %arg0, %mul3A_410 : i32
      %add3A_412 = arith.constant 32 : i32
      %add3A_413 = arith.addi %mul3A_411, %add3A_412 : i32
      %get3A_414 = arith.index_cast %add3A_413 : i32 to index
      %get3A_415 = memref.load %arg2[%get3A_414] : memref<2560xi32, #tpu.memory_space<smem>>
      %ge3A_416 = arith.constant 0 : i32
      %ge3A_417 = arith.cmpi sge, %get3A_415, %ge3A_416 : i32
      %convert_element_type3A_418 = arith.extui %ge3A_417 : i1 to i32
      %cond3A_419 = arith.constant 0 : i32
      %cond3A_420 = arith.cmpi ne, %convert_element_type3A_418, %cond3A_419 : i32
      scf.if %cond3A_420 {
        %slice3A = vector.extract_strided_slice %mul3A_58 {offsets = [32, 0], sizes = [1, 1024], strides = [1, 1]} : vector<40x1024xf32> to vector<1x1024xf32>
        %swap3A = arith.index_cast %get3A_415 : i32 to index
        %swap3A_498 = arith.constant 0 : index
        %swap3A_499 = vector.load %arg9[%swap3A, %swap3A_498] : memref<2048x1024xf32, #tpu.memory_space<vmem>>, vector<1x1024xf32>
        tpu.vector_store %arg9[%swap3A, %swap3A_498], %slice3A {strides = array<i32>} : memref<2048x1024xf32, #tpu.memory_space<vmem>>, vector<1x1024xf32>,
      } else {
      }
      %mul3A_421 = arith.constant 40 : i32
      %mul3A_422 = arith.muli %arg0, %mul3A_421 : i32
      %add3A_423 = arith.constant 33 : i32
      %add3A_424 = arith.addi %mul3A_422, %add3A_423 : i32
      %get3A_425 = arith.index_cast %add3A_424 : i32 to index
      %get3A_426 = memref.load %arg2[%get3A_425] : memref<2560xi32, #tpu.memory_space<smem>>
      %ge3A_427 = arith.constant 0 : i32
      %ge3A_428 = arith.cmpi sge, %get3A_426, %ge3A_427 : i32
      %convert_element_type3A_429 = arith.extui %ge3A_428 : i1 to i32
      %cond3A_430 = arith.constant 0 : i32
      %cond3A_431 = arith.cmpi ne, %convert_element_type3A_429, %cond3A_430 : i32
      scf.if %cond3A_431 {
        %slice3A = vector.extract_strided_slice %mul3A_58 {offsets = [33, 0], sizes = [1, 1024], strides = [1, 1]} : vector<40x1024xf32> to vector<1x1024xf32>
        %swap3A = arith.index_cast %get3A_426 : i32 to index
        %swap3A_498 = arith.constant 0 : index
        %swap3A_499 = vector.load %arg9[%swap3A, %swap3A_498] : memref<2048x1024xf32, #tpu.memory_space<vmem>>, vector<1x1024xf32>
        tpu.vector_store %arg9[%swap3A, %swap3A_498], %slice3A {strides = array<i32>} : memref<2048x1024xf32, #tpu.memory_space<vmem>>, vector<1x1024xf32>,
      } else {
      }
      %mul3A_432 = arith.constant 40 : i32
      %mul3A_433 = arith.muli %arg0, %mul3A_432 : i32
      %add3A_434 = arith.constant 34 : i32
      %add3A_435 = arith.addi %mul3A_433, %add3A_434 : i32
      %get3A_436 = arith.index_cast %add3A_435 : i32 to index
      %get3A_437 = memref.load %arg2[%get3A_436] : memref<2560xi32, #tpu.memory_space<smem>>
      %ge3A_438 = arith.constant 0 : i32
      %ge3A_439 = arith.cmpi sge, %get3A_437, %ge3A_438 : i32
      %convert_element_type3A_440 = arith.extui %ge3A_439 : i1 to i32
      %cond3A_441 = arith.constant 0 : i32
      %cond3A_442 = arith.cmpi ne, %convert_element_type3A_440, %cond3A_441 : i32
      scf.if %cond3A_442 {
        %slice3A = vector.extract_strided_slice %mul3A_58 {offsets = [34, 0], sizes = [1, 1024], strides = [1, 1]} : vector<40x1024xf32> to vector<1x1024xf32>
        %swap3A = arith.index_cast %get3A_437 : i32 to index
        %swap3A_498 = arith.constant 0 : index
        %swap3A_499 = vector.load %arg9[%swap3A, %swap3A_498] : memref<2048x1024xf32, #tpu.memory_space<vmem>>, vector<1x1024xf32>
        tpu.vector_store %arg9[%swap3A, %swap3A_498], %slice3A {strides = array<i32>} : memref<2048x1024xf32, #tpu.memory_space<vmem>>, vector<1x1024xf32>,
      } else {
      }
      %mul3A_443 = arith.constant 40 : i32
      %mul3A_444 = arith.muli %arg0, %mul3A_443 : i32
      %add3A_445 = arith.constant 35 : i32
      %add3A_446 = arith.addi %mul3A_444, %add3A_445 : i32
      %get3A_447 = arith.index_cast %add3A_446 : i32 to index
      %get3A_448 = memref.load %arg2[%get3A_447] : memref<2560xi32, #tpu.memory_space<smem>>
      %ge3A_449 = arith.constant 0 : i32
      %ge3A_450 = arith.cmpi sge, %get3A_448, %ge3A_449 : i32
      %convert_element_type3A_451 = arith.extui %ge3A_450 : i1 to i32
      %cond3A_452 = arith.constant 0 : i32
      %cond3A_453 = arith.cmpi ne, %convert_element_type3A_451, %cond3A_452 : i32
      scf.if %cond3A_453 {
        %slice3A = vector.extract_strided_slice %mul3A_58 {offsets = [35, 0], sizes = [1, 1024], strides = [1, 1]} : vector<40x1024xf32> to vector<1x1024xf32>
        %swap3A = arith.index_cast %get3A_448 : i32 to index
        %swap3A_498 = arith.constant 0 : index
        %swap3A_499 = vector.load %arg9[%swap3A, %swap3A_498] : memref<2048x1024xf32, #tpu.memory_space<vmem>>, vector<1x1024xf32>
        tpu.vector_store %arg9[%swap3A, %swap3A_498], %slice3A {strides = array<i32>} : memref<2048x1024xf32, #tpu.memory_space<vmem>>, vector<1x1024xf32>,
      } else {
      }
      %mul3A_454 = arith.constant 40 : i32
      %mul3A_455 = arith.muli %arg0, %mul3A_454 : i32
      %add3A_456 = arith.constant 36 : i32
      %add3A_457 = arith.addi %mul3A_455, %add3A_456 : i32
      %get3A_458 = arith.index_cast %add3A_457 : i32 to index
      %get3A_459 = memref.load %arg2[%get3A_458] : memref<2560xi32, #tpu.memory_space<smem>>
      %ge3A_460 = arith.constant 0 : i32
      %ge3A_461 = arith.cmpi sge, %get3A_459, %ge3A_460 : i32
      %convert_element_type3A_462 = arith.extui %ge3A_461 : i1 to i32
      %cond3A_463 = arith.constant 0 : i32
      %cond3A_464 = arith.cmpi ne, %convert_element_type3A_462, %cond3A_463 : i32
      scf.if %cond3A_464 {
        %slice3A = vector.extract_strided_slice %mul3A_58 {offsets = [36, 0], sizes = [1, 1024], strides = [1, 1]} : vector<40x1024xf32> to vector<1x1024xf32>
        %swap3A = arith.index_cast %get3A_459 : i32 to index
        %swap3A_498 = arith.constant 0 : index
        %swap3A_499 = vector.load %arg9[%swap3A, %swap3A_498] : memref<2048x1024xf32, #tpu.memory_space<vmem>>, vector<1x1024xf32>
        tpu.vector_store %arg9[%swap3A, %swap3A_498], %slice3A {strides = array<i32>} : memref<2048x1024xf32, #tpu.memory_space<vmem>>, vector<1x1024xf32>,
      } else {
      }
      %mul3A_465 = arith.constant 40 : i32
      %mul3A_466 = arith.muli %arg0, %mul3A_465 : i32
      %add3A_467 = arith.constant 37 : i32
      %add3A_468 = arith.addi %mul3A_466, %add3A_467 : i32
      %get3A_469 = arith.index_cast %add3A_468 : i32 to index
      %get3A_470 = memref.load %arg2[%get3A_469] : memref<2560xi32, #tpu.memory_space<smem>>
      %ge3A_471 = arith.constant 0 : i32
      %ge3A_472 = arith.cmpi sge, %get3A_470, %ge3A_471 : i32
      %convert_element_type3A_473 = arith.extui %ge3A_472 : i1 to i32
      %cond3A_474 = arith.constant 0 : i32
      %cond3A_475 = arith.cmpi ne, %convert_element_type3A_473, %cond3A_474 : i32
      scf.if %cond3A_475 {
        %slice3A = vector.extract_strided_slice %mul3A_58 {offsets = [37, 0], sizes = [1, 1024], strides = [1, 1]} : vector<40x1024xf32> to vector<1x1024xf32>
        %swap3A = arith.index_cast %get3A_470 : i32 to index
        %swap3A_498 = arith.constant 0 : index
        %swap3A_499 = vector.load %arg9[%swap3A, %swap3A_498] : memref<2048x1024xf32, #tpu.memory_space<vmem>>, vector<1x1024xf32>
        tpu.vector_store %arg9[%swap3A, %swap3A_498], %slice3A {strides = array<i32>} : memref<2048x1024xf32, #tpu.memory_space<vmem>>, vector<1x1024xf32>,
      } else {
      }
      %mul3A_476 = arith.constant 40 : i32
      %mul3A_477 = arith.muli %arg0, %mul3A_476 : i32
      %add3A_478 = arith.constant 38 : i32
      %add3A_479 = arith.addi %mul3A_477, %add3A_478 : i32
      %get3A_480 = arith.index_cast %add3A_479 : i32 to index
      %get3A_481 = memref.load %arg2[%get3A_480] : memref<2560xi32, #tpu.memory_space<smem>>
      %ge3A_482 = arith.constant 0 : i32
      %ge3A_483 = arith.cmpi sge, %get3A_481, %ge3A_482 : i32
      %convert_element_type3A_484 = arith.extui %ge3A_483 : i1 to i32
      %cond3A_485 = arith.constant 0 : i32
      %cond3A_486 = arith.cmpi ne, %convert_element_type3A_484, %cond3A_485 : i32
      scf.if %cond3A_486 {
        %slice3A = vector.extract_strided_slice %mul3A_58 {offsets = [38, 0], sizes = [1, 1024], strides = [1, 1]} : vector<40x1024xf32> to vector<1x1024xf32>
        %swap3A = arith.index_cast %get3A_481 : i32 to index
        %swap3A_498 = arith.constant 0 : index
        %swap3A_499 = vector.load %arg9[%swap3A, %swap3A_498] : memref<2048x1024xf32, #tpu.memory_space<vmem>>, vector<1x1024xf32>
        tpu.vector_store %arg9[%swap3A, %swap3A_498], %slice3A {strides = array<i32>} : memref<2048x1024xf32, #tpu.memory_space<vmem>>, vector<1x1024xf32>,
      } else {
      }
      %mul3A_487 = arith.constant 40 : i32
      %mul3A_488 = arith.muli %arg0, %mul3A_487 : i32
      %add3A_489 = arith.constant 39 : i32
      %add3A_490 = arith.addi %mul3A_488, %add3A_489 : i32
      %get3A_491 = arith.index_cast %add3A_490 : i32 to index
      %get3A_492 = memref.load %arg2[%get3A_491] : memref<2560xi32, #tpu.memory_space<smem>>
      %ge3A_493 = arith.constant 0 : i32
      %ge3A_494 = arith.cmpi sge, %get3A_492, %ge3A_493 : i32
      %convert_element_type3A_495 = arith.extui %ge3A_494 : i1 to i32
      %cond3A_496 = arith.constant 0 : i32
      %cond3A_497 = arith.cmpi ne, %convert_element_type3A_495, %cond3A_496 : i32
      scf.if %cond3A_497 {
        %slice3A = vector.extract_strided_slice %mul3A_58 {offsets = [39, 0], sizes = [1, 1024], strides = [1, 1]} : vector<40x1024xf32> to vector<1x1024xf32>
        %swap3A = arith.index_cast %get3A_492 : i32 to index
        %swap3A_498 = arith.constant 0 : index
        %swap3A_499 = vector.load %arg9[%swap3A, %swap3A_498] : memref<2048x1024xf32, #tpu.memory_space<vmem>>, vector<1x1024xf32>
        tpu.vector_store %arg9[%swap3A, %swap3A_498], %slice3A {strides = array<i32>} : memref<2048x1024xf32, #tpu.memory_space<vmem>>, vector<1x1024xf32>,
      } else {
      }
    } else {
    }
    return
  }
  func.func @transform_0(%arg0: i32, %arg1: i32, %arg2: memref<2560xi32, #tpu.memory_space<smem>>) -> (i32, i32, i32) {
    %c0_i32 = arith.constant 0 : i32
    %c0_i32_0 = arith.constant 0 : i32
    %c0_i32_1 = arith.constant 0 : i32
    return %arg0, %c0_i32, %c0_i32_0 : i32, i32, i32
  }
  func.func @transform_1(%arg0: i32, %arg1: i32, %arg2: memref<2560xi32, #tpu.memory_space<smem>>) -> (i32, i32, i32) {
    %c0_i32 = arith.constant 0 : i32
    %c0_i32_0 = arith.constant 0 : i32
    return %arg0, %arg1, %c0_i32 : i32, i32, i32
  }
  func.func @transform_2(%arg0: i32, %arg1: i32, %arg2: memref<2560xi32, #tpu.memory_space<smem>>) -> (i32, i32, i32) {
    %c0_i32 = arith.constant 0 : i32
    %c0_i32_0 = arith.constant 0 : i32
    return %arg0, %c0_i32, %arg1 : i32, i32, i32
  }
  func.func @transform_3(%arg0: i32, %arg1: i32, %arg2: memref<2560xi32, #tpu.memory_space<smem>>) -> (i32, i32, i32) {
    %c0_i32 = arith.constant 0 : i32
    %c0_i32_0 = arith.constant 0 : i32
    return %arg0, %c0_i32, %arg1 : i32, i32, i32
  }
  func.func @transform_4(%arg0: i32, %arg1: i32, %arg2: memref<2560xi32, #tpu.memory_space<smem>>) -> (i32, i32, i32) {
    %c0_i32 = arith.constant 0 : i32
    %c0_i32_0 = arith.constant 0 : i32
    %c0_i32_1 = arith.constant 0 : i32
    return %arg0, %c0_i32, %c0_i32_0 : i32, i32, i32
  }
  func.func @transform_5(%arg0: i32, %arg1: i32, %arg2: memref<2560xi32, #tpu.memory_space<smem>>) -> (i32, i32, i32) {
    %c0_i32 = arith.constant 0 : i32
    %c0_i32_0 = arith.constant 0 : i32
    %c0_i32_1 = arith.constant 0 : i32
    return %arg0, %c0_i32, %c0_i32_0 : i32, i32, i32
  }
  func.func @transform_6(%arg0: i32, %arg1: i32, %arg2: memref<2560xi32, #tpu.memory_space<smem>>) -> (i32, i32) {
    %c0_i32 = arith.constant 0 : i32
    %c0_i32_0 = arith.constant 0 : i32
    %c0_i32_1 = arith.constant 0 : i32
    return %c0_i32, %c0_i32_0 : i32, i32
  }
}

</mosaic_0001>

<sc_bundles>
// kernel: kernel.5.cloned.1.call-start
scs
__scs_entry_jumppad:
0x0: {  	(pc) =	sbr.rel $0x88, $3  }
0x1: {  	(tag) =	ssettag $0x0;
	lr =	simm.s32 $0x1  }
0x2: {  	[smem:$0x3F9A] =	sst lr;
	_ =	strace $0xD0000000  }
0x3: {  	_ = 	snop  }
0x4: {  	_ = 	snop  }
0x5: {  	_ = 	snop  }
0x6: {  	_ = 	snop  }
0x7: {  	_ = 	snop  }
__scs_overlays_trampoline_lowered:
0x8: {  	[smem:$0x3FA9] =	sst s0  }
0x9: {  	[smem:$0x3FAA] =	sst s1  }
0xa: {  	[smem:$0x3FAB] =	sst s2  }
0xb: {  	[smem:$0x3FAC] =	sst s3  }
0xc: {  	[smem:$0x3FAD] =	sst s4  }
0xd: {  	[smem:$0x3FAE] =	sst s5  }
0xe: {  	[smem:$0x3FAF] =	sst s6  }
0xf: {  	[smem:$0x3FB0] =	sst s7  }
0x10: {  	[smem:$0x3FB1] =	sst s8  }
0x11: {  	[smem:$0x3FB2] =	sst s9;
	s0 =	simm.s32 @!p0 $0x0  }
0x12: {  	s1 =	sld [smem:$0x3F98];
	s0 =	simm.s32 @p0 $0x1  }
0x13: {  	[smem:$0x3FB3] =	sst s0;
	s0 =	simm.s32 @!p1 $0x0  }
0x14: {  	s2 =	sld [smem:$0x3F97];
	s0 =	simm.s32 @p1 $0x1  }
0x15: {  	[smem:$0x3FB4] =	sst s0;
	s0 =	simm.s32 @!p2 $0x0  }
0x16: {  	s3 =	sld [smem:$0x3FDB];
	s0 =	simm.s32 @p2 $0x1  }
0x17: {  	s4 =	simm.s32 $0x1BF5;
	[smem:$0x3FB6] =	sst s0  }
0x18: {  	s0 =	sld [smem:$0x3F99];
	_ =	swait.ge [sflag:s4], $0x0  }
0x19: {  	s7 =	sld [smem:$0x3F9A]  }
0x1a: {  	s8 =	sadd.s32 $0xFFFFE003, lr  }
0x1b: {  	s9 =	sadd.s32 $0xFFFFFEF7, lr;
	s5 =	simm.s32 $0xFFFFFFFF;
	p2 =	slt.u32 s8, $0xFFFFF086  }
0x1c: {  	p1 =	slt.u32 s9, $0xF7A;
	s5 =	simm.s32 @!p2 $0x0  }
0x1d: {  	s5 =	simm.s32 @p1 $0x1;
	p0 =	seq.s32 s7, s2  }
0x1e: {  	s7 =	smul.u32 @!p0 $0xF7A, s2;
	p2 =	seq.s32 @!p0 s5, $0x0  }
0x1f: {  	s9 =	smul.u32 $0xF7A, s1;
	s8 =	simm.s32 @!p0 $0x1BF5;
	p2 =	por !p2, p0  }
0x20: {  	[sflag:s8] =	ssyncset.s32 @!p0 $0xFFFFF086;
	s6 =	sadd.s32 @!p0 s3, s7;
	s7 =	simm.s32 @!p0 $0x108  }
0x21: {  	s3 =	sadd.s32 s3, s9;
	s6 =	sadd.s32 @!p0 $0x88, s6;
	s7 =	simm.s32 @p2 $0x1082  }
0x22: {  	[simem:s7], [sflag:s8] =	dma.local @!p0 [hbm:s6], $0xF7A  }
0x23: {  	s9 =	sor.u32 $0xD0000000, s2;
	s6 =	simm.s32 $0x108;
	_ =	swait.ge @!p0 [sflag:s8], $0x0  }
0x24: {  	s3 =	sadd.s32 $0x88, s3;
	s6 =	simm.s32 @!p1 $0x1082;
	[sflag:s4] =	ssyncset.s32 $0xFFFFF086  }
0x25: {  	[simem:s6], [sflag:s4] =	dma.local [hbm:s3], $0xF7A  }
0x26: {  	[smem:$0x3F9A] =	sst s1;
	(tag) =	ssettag s2;
	_ =	strace s9  }
0x27: {  	s1 =	sld [smem:$0x3FAA]  }
0x28: {  	s2 =	sld [smem:$0x3FAB]  }
0x29: {  	s4 =	sld [smem:$0x3FAD]  }
0x2a: {  	p0 =	seq.s32 s5, $0x0;
	s5 =	sld [smem:$0x3FAE]  }
0x2b: {  	s6 =	sld [smem:$0x3FAF]  }
0x2c: {  	s7 =	sld [smem:$0x3FB0]  }
0x2d: {  	s3 =	simm.s32 $0x108;
	s8 =	sld [smem:$0x3FB1]  }
0x2e: {  	s3 =	simm.s32 @!p0 $0x1082;
	s9 =	sld [smem:$0x3FB2]  }
0x2f: {  	lr =	sadd.s32 s0, s3;
	s0 =	sld [smem:$0x3FA9]  }
0x30: {  	s3 =	sld [smem:$0x3FAC]  }
0x31: {  	[smem:$0x3FB5] =	sst s10  }
0x32: {  	s10 =	sld [smem:$0x3FB3];
	_ =	sdelay $0x3  }
0x33: {  	p0 =	seq.s32 s10, $0x1;
	s10 =	sld [smem:$0x3FB5];
	_ =	sdelay $0x3  }
0x34: {  	[smem:$0x3FB5] =	sst s10  }
0x35: {  	s10 =	sld [smem:$0x3FB4];
	_ =	sdelay $0x3  }
0x36: {  	p1 =	seq.s32 s10, $0x1;
	s10 =	sld [smem:$0x3FB5];
	_ =	sdelay $0x3  }
0x37: {  	[smem:$0x3FB5] =	sst s10  }
0x38: {  	s10 =	sld [smem:$0x3FB6]  }
0x39: {  	_ = 	snop;
	(pc) =	sbr.ind lr, $3  }
0x3a: {  	_ = 	snop  }
0x3b: {  	_ = 	snop  }
0x3c: {  	p2 =	seq.s32 s10, $0x1;
	s10 =	sld [smem:$0x3FB5]  }
0x3d: {  	_ =	shalt  }
0x3e: {  	_ =	shalt  }
0x3f: {  	_ =	shalt  }
0x40: {  	_ =	shalt  }
0x41: {  	_ =	shalt  }
0x42: {  	_ =	shalt  }
0x43: {  	_ =	shalt  }
0x44: {  	_ =	shalt  }
0x45: {  	_ =	shalt  }
0x46: {  	_ =	shalt  }
0x47: {  	_ =	shalt  }
0x48: {  	_ =	shalt  }
0x49: {  	_ =	shalt  }
0x4a: {  	_ =	shalt  }
0x4b: {  	_ =	shalt  }
0x4c: {  	_ =	shalt  }
0x4d: {  	_ =	shalt  }
0x4e: {  	_ =	shalt  }
0x4f: {  	_ =	shalt  }
0x50: {  	_ =	shalt  }
0x51: {  	_ =	shalt  }
0x52: {  	_ =	shalt  }
0x53: {  	_ =	shalt  }
0x54: {  	_ =	shalt  }
0x55: {  	_ =	shalt  }
0x56: {  	_ =	shalt  }
0x57: {  	_ =	shalt  }
0x58: {  	_ =	shalt  }
0x59: {  	_ =	shalt  }
0x5a: {  	_ =	shalt  }
0x5b: {  	_ =	shalt  }
0x5c: {  	_ =	shalt  }
0x5d: {  	_ =	shalt  }
0x5e: {  	_ =	shalt  }
0x5f: {  	_ =	shalt  }
0x60: {  	_ =	shalt  }
0x61: {  	_ =	shalt  }
0x62: {  	_ =	shalt  }
0x63: {  	_ =	shalt  }
0x64: {  	_ =	shalt  }
0x65: {  	_ =	shalt  }
0x66: {  	_ =	shalt  }
0x67: {  	_ =	shalt  }
0x68: {  	_ =	shalt  }
0x69: {  	_ =	shalt  }
0x6a: {  	_ =	shalt  }
0x6b: {  	_ =	shalt  }
0x6c: {  	_ =	shalt  }
0x6d: {  	_ =	shalt  }
0x6e: {  	_ =	shalt  }
0x6f: {  	_ =	shalt  }
0x70: {  	_ =	shalt  }
0x71: {  	_ =	shalt  }
0x72: {  	_ =	shalt  }
0x73: {  	_ =	shalt  }
0x74: {  	_ =	shalt  }
0x75: {  	_ =	shalt  }
0x76: {  	_ =	shalt  }
0x77: {  	_ =	shalt  }
0x78: {  	_ =	shalt  }
0x79: {  	_ =	shalt  }
0x7a: {  	_ =	shalt  }
0x7b: {  	_ =	shalt  }
0x7c: {  	_ =	shalt  }
0x7d: {  	_ =	shalt  }
0x7e: {  	_ =	shalt  }
0x7f: {  	_ =	shalt  }
0x80: {  	_ =	shalt  }
0x81: {  	_ =	shalt  }
0x82: {  	_ =	shalt  }
0x83: {  	_ =	shalt  }
0x84: {  	_ =	shalt  }
0x85: {  	_ =	shalt  }
0x86: {  	_ =	shalt  }
0x87: {  	_ =	shalt  }
.Lfunc_end0:
.L_simem_size_0:
called_computation_lowered:
.L_overlay_start_0:
0x88: {  	s2 =	sld [smem:$0x3FD9]  }
0x89: {  	s3 =	sld [smem:$0x3FFE];
	_ =	sdelay $0x1  }
0x8a: {  	s1 =	srdreg.scid  }
0x8b: {  	s0 =	sand.u32 $0x1, s1  }
0x8c: {  	s17 =	sshll.u32 s0, $0xA;
	s2 =	sadd.s32 s3, s2  }
0x8d: {  	s2 =	sadd.s32 s2, s17  }
0x8e: {  	[smem:$0x3FC1] =	sst s2  }
0x8f: {  	_ = 	snop  }
0x90: {  	s2 =	sld [smem:$0x3FC9]  }
0x91: {  	s18 =	sld [smem:$0x3FD0];
	(tm) =	ssettm $0x1  }
0x92: {  	s4 =	sld [smem:$0x3FFB];
	_ =	sdelay $0x3  }
0x93: {  	_ =	strace s4  }
0x94: {  	s4 =	sld [smem:$0x3FFC];
	_ =	sdelay $0x3  }
0x95: {  	_ =	strace s4  }
0x96: {  	s4 =	sld [smem:$0x3FFD];
	_ =	sdelay $0x3  }
0x97: {  	_ =	strace s4  }
0x98: {  	_ =	strace $0x8FFFFFFF  }
0x99: {  	s19 =	sld [smem:$0x3FDB];
	_ =	sdelay $0x1  }
0x9a: {  	s5 =	simm.s32 $_scs_section_size  }
0x9b: {  	s6 =	simm.s32 $_size__tile_overlayer_lowered;
	s7 =	simm.s32 $_tile_overlayer_lowered  }
0x9c: {  	s22 =	simm.s32 $0x1BFF;
	s21 =	sshll.u32 s7, $0x1;
	s4 =	sadd.s32 s5, s19  }
0x9d: {  	s8 =	simm.s32 $0x0;
	s20 =	sshll.u32 s6, $0x1;
	s6 =	sadd.s32 s21, s4  }
0x9e: {  	[timem:s8], [sflag:s22] =	dma.local [hbm:s6], s20  }
0x9f: {  	_ =	swait.ge [sflag:s22], s20  }
0xa0: {  	s5 =	ssub.s32 $0x0, s20;
	[sflag:s22] =	ssyncset.done $0x0  }
0xa1: {  	[sflag:s22] =	ssyncadd.s32 s5;
	_ =	sdelay $0x1  }
0xa2: {  	s23 =	simm.s32 $0x1B8B  }
0xa3: {  	_ =	swait.ge [sflag:s23], $0x1  }
0xa4: {  	[sflag:s23] =	ssyncset.done $0x0  }
0xa5: {  	s25 =	simm.s32 $0x1B8E;
	s24 =	sld [smem:$0x3FFE];
	[sflag:s23] =	ssyncadd.s32 $0xFFFFFFFF  }
0xa6: {  	s26 =	simm.s32 $execute0_lowered;
	[smem:$0x3FD2] =	sst s25  }
0xa7: {  	s6 =	sshll.u32 s26, $0x1;
	_ =	strace $0x80000046;
	[dreg:$0x1] =	wrdreg $0xFFFFFFFF  }
0xa8: {  	s28 =	simm.s32 $_size_execute0_lowered;
	s4 =	sadd.s32 s4, s6;
	[dreg:$0x0] =	wrdreg $0x0  }
0xa9: {  	s6 =	sshll.u32 s28, $0x1;
	[dreg:$0x2] =	wrdreg s4  }
0xaa: {  	[dreg:$0x3] =	wrdreg s6  }
0xab: {  	[dreg:$0x4] =	wrdreg $0xC0  }
0xac: {  	_ =	task [dreg:s8], $0x5FFFF  }
0xad: {  	[dreg:$0x1] =	wrdreg $0xFFFFFFFF  }
0xae: {  	[dreg:$0x0] =	wrdreg $0x60  }
0xaf: {  	[dreg:$0x2] =	wrdreg s2  }
0xb0: {  	[dreg:$0x3] =	wrdreg s18  }
0xb1: {  	[dreg:$0x4] =	wrdreg s24  }
0xb2: {  	[dreg:$0x5] =	wrdreg $0x9  }
0xb3: {  	_ =	task.clear_ibuf [dreg:s8], $0x6FFFF;
	_ =	strace $0x90000046  }
0xb4: {  	s29 =	simm.s32 $0x9;
	_ =	strace $0x80000048  }
0xb5: {  	_ =	swait.ge [sflag:s29], $0x1  }
0xb6: {  	[sflag:s29] =	ssyncadd.s32 $0xFFFFFFFF  }
0xb7: {  	_ =	strace $0x90000048  }
0xb8: {  	_ =	sfence  }
0xb9: {  	s30 =	sld [smem:$0x0];
	_ =	sdelay $0x2  }
0xba: {  	s31 =	sshll.u32 s1, $0xD;
	s1 =	sshrl.u32 s1, $0x2  }
0xbb: {  	s3 =	sand.u32 $0x4000, s31;
	s1 =	sadd.s32 s1, s30  }
0xbc: {  	s0 =	sor.u32 s3, s0;
	s1 =	sshll.u32 s1, $0x11  }
0xbd: {  	s0 =	sor.u32 s1, s0  }
0xbe: {  	s0 =	sadd.s32 $0x8F2B, s0  }
0xbf: {  	[sflag:s0] =	ssyncadd.remote.s32 $0x1  }
0xc0: {  	_ =	sfence.sel $0xFFFF  }
0xc1: {  	[dreg:$0x0] =	wrdreg $0xFFFFFFFF;
	(pc) =	sbr.abs _section_cstart, $3  }
0xc2: {  	[dreg:$0x1] =	wrdreg $0xFFFFFFFF  }
0xc3: {  	_ =	task.clear_ibuf [dreg:s8], $0x2FFFF;
	_ =	strace $0x9FFFFFFF  }
0xc4: {  	(tm) =	ssettm $0x7FFFFFFF  }
0xc5: {  	_ =	shalt  }
tec
execute0_lowered:
.L_overlay_start_1:
0x0: {  	(tag) =	ssettag $0x1  }
0x1: {  	s2 =	srdreg.scid  }
0x2: {  	s0 =	stileid.u32;
	s1 =	rddreg [dreg:$0x0]  }
0x3: {  	s4 =	rddreg [dreg:$0x1];
	s2 =	sand.u32 $0x1, s2;
	s3 =	sshll.u32 s0, $0x1  }
0x4: {  	s6 =	rddreg [dreg:$0x2];
	s5 =	sor.u32 s2, s3;
	s3 =	simm.s32 $0x0  }
0x5: {  	s9 =	simm.s32 $0x880;
	[smem:$0x7FF] =	sst s3  }
0x6: {  	s10 =	simm.s32 $0x1080;
	_ =	strace $0x80000047;
	[dreg:$0x6] =	wrdreg s9  }
0x7: {  	s11 =	simm.s32 $0x1880;
	[dreg:$0x7] =	wrdreg s10  }
0x8: {  	s12 =	simm.s32 $0x2080;
	[dreg:$0x8] =	wrdreg s11  }
0x9: {  	s13 =	simm.s32 $0x2880;
	[dreg:$0x9] =	wrdreg s12  }
0xa: {  	s14 =	simm.s32 $0x3080;
	[dreg:$0xa] =	wrdreg s13  }
0xb: {  	s15 =	simm.s32 $0x3880;
	[dreg:$0xb] =	wrdreg s14  }
0xc: {  	s16 =	simm.s32 $0x4080;
	s17 =	simm.s32 $0x4880;
	[dreg:$0xc] =	wrdreg s15  }
0xd: {  	s18 =	simm.s32 $0x5080;
	s19 =	simm.s32 $0x5880;
	[dreg:$0xd] =	wrdreg s16  }
0xe: {  	s21 =	simm.s32 $0x6080;
	s22 =	simm.s32 $0x6880;
	[dreg:$0xe] =	wrdreg s17  }
0xf: {  	s23 =	simm.s32 $0x7080;
	s24 =	simm.s32 $0x7880;
	[dreg:$0xf] =	wrdreg s18  }
0x10: {  	s25 =	simm.s32 $0x8880;
	s26 =	simm.s32 $0x9080;
	[dreg:$0x10] =	wrdreg s19  }
0x11: {  	s28 =	simm.s32 $0x12080;
	s29 =	simm.s32 $0x12880;
	[dreg:$0x11] =	wrdreg s21  }
0x12: {  	s30 =	simm.s32 $0x13080;
	s31 =	simm.s32 $0x13880;
	[dreg:$0x12] =	wrdreg s22  }
0x13: {  	s2 =	ssub.s32 $0x2, s2;
	s7 =	smul.u32 $0x2800, s5;
	[dreg:$0x13] =	wrdreg s23  }
0x14: {  	s5 =	smul.u32 $0xA, s5;
	s20 =	sshrl.u32 s2, $0x1;
	[dreg:$0x14] =	wrdreg s24  }
0x15: {  	s2 =	ssub.s32 s2, s20;
	[dreg:$0x16] =	wrdreg s25;
	s9 =	simm.s32 $0x80  }
0x16: {  	[dreg:$0x17] =	wrdreg s26;
	s11 =	simm.s32 $0xA080;
	s12 =	simm.s32 $0xA880  }
0x17: {  	s13 =	simm.s32 $0xB080;
	s14 =	simm.s32 $0xB880;
	s15 =	simm.s32 $0xC080  }
0x18: {  	s16 =	simm.s32 $0xC880;
	s17 =	simm.s32 $0xD080;
	s18 =	simm.s32 $0xD880  }
0x19: {  	s19 =	simm.s32 $0xE080;
	s20 =	simm.s32 $0xE880;
	s21 =	simm.s32 $0xF080  }
0x1a: {  	s22 =	simm.s32 $0xF880;
	s23 =	simm.s32 $0x10080;
	s24 =	simm.s32 $0x10880  }
0x1b: {  	s25 =	simm.s32 $0x11080;
	s26 =	simm.s32 $0x11880;
	s6 =	sadd.s32 s7, s6  }
0x1c: {  	s4 =	sadd.s32 s4, s5;
	s5 =	sadd.s32 $0x200, s1;
	s7 =	smax.u32 s2, $0x1  }
0x1d: {  	v2 =	vlaneseq.u32;
	s2 =	simm.s32 $0x1;
	[dreg:$0x4] =	wrdreg s4;
	s8 =	sadd.s32 $0x1200, s6  }
0x1e: {  	vm0 =	vmmov $0xffff;
	v1 =	vshrl.u32 v2, $0x3;
	s4 =	sadd.s32 $0x100, s1;
	[dreg:$0x5] =	wrdreg s8;
	s8 =	simm.s32 $0x8080  }
0x1f: {  	v0 =	vand.u32 $0x7, v2;
	v2 =	vor.u32 $0x8, v2;
	v1 =	vmul.u32 $0x8, v1;
	s6 =	sadd.s32 $0x300, s1;
	[dreg:$0x15] =	wrdreg s8;
	s8 =	simm.s32 $0x2  }
.LBB2_1:
0x20: {  	s0 =	rddreg [dreg:$0x4]  }
0x21: {  	[tilespmem:s3], [sflag:$0x2] =	stream.linear.gather [hbm4b:s0+s3], $0x50, $0x38;
	[tilespmem:$0x14080] =	vst v63  }
0x22: {  	_ =	swait.ge [sflag:s8], $0x50  }
0x23: {  	[sflag:s8] =	ssyncset.done $0x0  }
0x24: {  	[sflag:s8] =	ssyncadd.s32 $0xFFFFFFB0  }
0x25: {  	v3 =	vld [tilespmem:$0x0];
	_ =	sdelay $0x4  }
0x26: {  	v4 =	vshll.u32 v3, $0x3  }
0x27: {  	v3 =	vand.u32 $0x7, v3;
	v4 =	vand.u32 $0xFFFFFFC0, v4  }
0x28: {  	v3 =	vor.u32 v3, v4  }
0x29: {  	v4 =	vperm.xlane v3, v0;
	_ =	sdelay $0x1  }
0x2a: {  	v4 =	vadd.s32 v1, v4;
	_ =	sdelay $0x4  }
0x2b: {  	[tilespmem:s9], [sflag:$0x1] =	stream.indirect_vreg.gather [hbm4b:s1+s3], $0x80, v4, vm0, $0xb8;
	[tilespmem:$0x14080] =	vst v63  }
0x2c: {  	s0 =	rddreg [dreg:$0x6];
	v3 =	vperm.xlane v3, v2  }
0x2d: {  	[tilespmem:s0], [sflag:$0x1] =	stream.indirect_vreg.gather [hbm4b:s4+s3], $0x80, v4, vm0, $0xb8;
	[tilespmem:$0x14080] =	vst v63  }
0x2e: {  	s10 =	rddreg [dreg:$0x7];
	v3 =	vadd.s32 v1, v3  }
0x2f: {  	[tilespmem:s10], [sflag:$0x1] =	stream.indirect_vreg.gather [hbm4b:s5+s3], $0x80, v4, vm0, $0xb8;
	[tilespmem:$0x14080] =	vst v63  }
0x30: {  	s0 =	rddreg [dreg:$0x8]  }
0x31: {  	[tilespmem:s0], [sflag:$0x1] =	stream.indirect_vreg.gather [hbm4b:s6+s3], $0x80, v4, vm0, $0xb8;
	[tilespmem:$0x14080] =	vst v63  }
0x32: {  	s10 =	rddreg [dreg:$0x9]  }
0x33: {  	[tilespmem:s10], [sflag:$0x1] =	stream.indirect_vreg.gather [hbm4b:s1+s3], $0x80, v3, vm0, $0xb8;
	[tilespmem:$0x14080] =	vst v63  }
0x34: {  	s0 =	rddreg [dreg:$0xa]  }
0x35: {  	[tilespmem:s0], [sflag:$0x1] =	stream.indirect_vreg.gather [hbm4b:s4+s3], $0x80, v3, vm0, $0xb8;
	[tilespmem:$0x14080] =	vst v63  }
0x36: {  	s10 =	rddreg [dreg:$0xb]  }
0x37: {  	[tilespmem:s10], [sflag:$0x1] =	stream.indirect_vreg.gather [hbm4b:s5+s3], $0x80, v3, vm0, $0xb8;
	[tilespmem:$0x14080] =	vst v63  }
0x38: {  	s0 =	rddreg [dreg:$0xc]  }
0x39: {  	[tilespmem:s0], [sflag:$0x1] =	stream.indirect_vreg.gather [hbm4b:s6+s3], $0x80, v3, vm0, $0xb8;
	[tilespmem:$0x14080] =	vst v63  }
0x3a: {  	v3 =	vld [tilespmem:$0x10];
	_ =	sdelay $0x4  }
0x3b: {  	v60 =	vshll.u32 v3, $0x3  }
0x3c: {  	v3 =	vand.u32 $0x7, v3;
	v4 =	vand.u32 $0xFFFFFFC0, v60  }
0x3d: {  	v3 =	vor.u32 v3, v4  }
0x3e: {  	v4 =	vperm.xlane v3, v0;
	_ =	sdelay $0x1  }
0x3f: {  	v4 =	vadd.s32 v1, v4;
	_ =	sdelay $0x3  }
0x40: {  	s0 =	rddreg [dreg:$0xd]  }
0x41: {  	[tilespmem:s0], [sflag:$0x1] =	stream.indirect_vreg.gather [hbm4b:s1+s3], $0x80, v4, vm0, $0xb8;
	[tilespmem:$0x14080] =	vst v63  }
0x42: {  	s10 =	rddreg [dreg:$0xe];
	v3 =	vperm.xlane v3, v2  }
0x43: {  	[tilespmem:s10], [sflag:$0x1] =	stream.indirect_vreg.gather [hbm4b:s4+s3], $0x80, v4, vm0, $0xb8;
	[tilespmem:$0x14080] =	vst v63  }
0x44: {  	v3 =	vadd.s32 v1, v3;
	s0 =	rddreg [dreg:$0xf]  }
0x45: {  	[tilespmem:s0], [sflag:$0x1] =	stream.indirect_vreg.gather [hbm4b:s5+s3], $0x80, v4, vm0, $0xb8;
	[tilespmem:$0x14080] =	vst v63  }
0x46: {  	s10 =	rddreg [dreg:$0x10]  }
0x47: {  	[tilespmem:s10], [sflag:$0x1] =	stream.indirect_vreg.gather [hbm4b:s6+s3], $0x80, v4, vm0, $0xb8;
	[tilespmem:$0x14080] =	vst v63  }
0x48: {  	s0 =	rddreg [dreg:$0x11]  }
0x49: {  	[tilespmem:s0], [sflag:$0x1] =	stream.indirect_vreg.gather [hbm4b:s1+s3], $0x80, v3, vm0, $0xb8;
	[tilespmem:$0x14080] =	vst v63  }
0x4a: {  	s10 =	rddreg [dreg:$0x12]  }
0x4b: {  	[tilespmem:s10], [sflag:$0x1] =	stream.indirect_vreg.gather [hbm4b:s4+s3], $0x80, v3, vm0, $0xb8;
	[tilespmem:$0x14080] =	vst v63  }
0x4c: {  	s0 =	rddreg [dreg:$0x13]  }
0x4d: {  	[tilespmem:s0], [sflag:$0x1] =	stream.indirect_vreg.gather [hbm4b:s5+s3], $0x80, v3, vm0, $0xb8;
	[tilespmem:$0x14080] =	vst v63  }
0x4e: {  	s10 =	rddreg [dreg:$0x14]  }
0x4f: {  	[tilespmem:s10], [sflag:$0x1] =	stream.indirect_vreg.gather [hbm4b:s6+s3], $0x80, v3, vm0, $0xb8;
	[tilespmem:$0x14080] =	vst v63  }
0x50: {  	v3 =	vld [tilespmem:$0x20];
	_ =	sdelay $0x4  }
0x51: {  	v61 =	vshll.u32 v3, $0x3  }
0x52: {  	v3 =	vand.u32 $0x7, v3;
	v4 =	vand.u32 $0xFFFFFFC0, v61  }
0x53: {  	v3 =	vor.u32 v3, v4  }
0x54: {  	v4 =	vperm.xlane v3, v0;
	_ =	sdelay $0x1  }
0x55: {  	v4 =	vadd.s32 v1, v4;
	_ =	sdelay $0x3  }
0x56: {  	s0 =	rddreg [dreg:$0x15]  }
0x57: {  	[tilespmem:s0], [sflag:$0x1] =	stream.indirect_vreg.gather [hbm4b:s1+s3], $0x80, v4, vm0, $0xb8;
	[tilespmem:$0x14080] =	vst v63  }
0x58: {  	s10 =	rddreg [dreg:$0x16];
	v3 =	vperm.xlane v3, v2  }
0x59: {  	[tilespmem:s10], [sflag:$0x1] =	stream.indirect_vreg.gather [hbm4b:s4+s3], $0x80, v4, vm0, $0xb8;
	[tilespmem:$0x14080] =	vst v63  }
0x5a: {  	v3 =	vadd.s32 v1, v3;
	s0 =	rddreg [dreg:$0x17]  }
0x5b: {  	[tilespmem:s0], [sflag:$0x1] =	stream.indirect_vreg.gather [hbm4b:s5+s3], $0x80, v4, vm0, $0xb8;
	[tilespmem:$0x14080] =	vst v63  }
0x5c: {  	s10 =	simm.s32 $0x9880  }
0x5d: {  	[tilespmem:s10], [sflag:$0x1] =	stream.indirect_vreg.gather [hbm4b:s6+s3], $0x80, v4, vm0, $0xb8;
	[tilespmem:$0x14080] =	vst v63  }
0x5e: {  	_ = 	snop  }
0x5f: {  	[tilespmem:s11], [sflag:$0x1] =	stream.indirect_vreg.gather [hbm4b:s1+s3], $0x80, v3, vm0, $0xb8;
	[tilespmem:$0x14080] =	vst v63  }
0x60: {  	_ = 	snop  }
0x61: {  	[tilespmem:s12], [sflag:$0x1] =	stream.indirect_vreg.gather [hbm4b:s4+s3], $0x80, v3, vm0, $0xb8;
	[tilespmem:$0x14080] =	vst v63  }
0x62: {  	_ = 	snop  }
0x63: {  	[tilespmem:s13], [sflag:$0x1] =	stream.indirect_vreg.gather [hbm4b:s5+s3], $0x80, v3, vm0, $0xb8;
	[tilespmem:$0x14080] =	vst v63  }
0x64: {  	_ = 	snop  }
0x65: {  	[tilespmem:s14], [sflag:$0x1] =	stream.indirect_vreg.gather [hbm4b:s6+s3], $0x80, v3, vm0, $0xb8;
	[tilespmem:$0x14080] =	vst v63  }
0x66: {  	v3 =	vld [tilespmem:$0x30];
	_ =	sdelay $0x4  }
0x67: {  	v62 =	vshll.u32 v3, $0x3  }
0x68: {  	v3 =	vand.u32 $0x7, v3;
	v4 =	vand.u32 $0xFFFFFFC0, v62  }
0x69: {  	v3 =	vor.u32 v3, v4  }
0x6a: {  	v4 =	vperm.xlane v3, v0;
	_ =	sdelay $0x1  }
0x6b: {  	v4 =	vadd.s32 v1, v4;
	_ =	sdelay $0x4  }
0x6c: {  	[tilespmem:s15], [sflag:$0x1] =	stream.indirect_vreg.gather [hbm4b:s1+s3], $0x80, v4, vm0, $0xb8;
	[tilespmem:$0x14080] =	vst v63  }
0x6d: {  	v3 =	vperm.xlane v3, v2  }
0x6e: {  	[tilespmem:s16], [sflag:$0x1] =	stream.indirect_vreg.gather [hbm4b:s4+s3], $0x80, v4, vm0, $0xb8;
	[tilespmem:$0x14080] =	vst v63  }
0x6f: {  	v3 =	vadd.s32 v1, v3  }
0x70: {  	[tilespmem:s17], [sflag:$0x1] =	stream.indirect_vreg.gather [hbm4b:s5+s3], $0x80, v4, vm0, $0xb8;
	[tilespmem:$0x14080] =	vst v63  }
0x71: {  	_ = 	snop  }
0x72: {  	[tilespmem:s18], [sflag:$0x1] =	stream.indirect_vreg.gather [hbm4b:s6+s3], $0x80, v4, vm0, $0xb8;
	[tilespmem:$0x14080] =	vst v63  }
0x73: {  	_ = 	snop  }
0x74: {  	[tilespmem:s19], [sflag:$0x1] =	stream.indirect_vreg.gather [hbm4b:s1+s3], $0x80, v3, vm0, $0xb8;
	[tilespmem:$0x14080] =	vst v63  }
0x75: {  	_ = 	snop  }
0x76: {  	[tilespmem:s20], [sflag:$0x1] =	stream.indirect_vreg.gather [hbm4b:s4+s3], $0x80, v3, vm0, $0xb8;
	[tilespmem:$0x14080] =	vst v63  }
0x77: {  	_ = 	snop  }
0x78: {  	[tilespmem:s21], [sflag:$0x1] =	stream.indirect_vreg.gather [hbm4b:s5+s3], $0x80, v3, vm0, $0xb8;
	[tilespmem:$0x14080] =	vst v63  }
0x79: {  	_ = 	snop  }
0x7a: {  	[tilespmem:s22], [sflag:$0x1] =	stream.indirect_vreg.gather [hbm4b:s6+s3], $0x80, v3, vm0, $0xb8;
	[tilespmem:$0x14080] =	vst v63  }
0x7b: {  	v3 =	vld [tilespmem:$0x40];
	_ =	sdelay $0x4  }
0x7c: {  	v63 =	vshll.u32 v3, $0x3  }
0x7d: {  	v3 =	vand.u32 $0x7, v3;
	v4 =	vand.u32 $0xFFFFFFC0, v63  }
0x7e: {  	v3 =	vor.u32 v3, v4  }
0x7f: {  	v4 =	vperm.xlane v3, v0;
	_ =	sdelay $0x1  }
0x80: {  	v4 =	vadd.s32 v1, v4;
	_ =	sdelay $0x4  }
0x81: {  	[tilespmem:s23], [sflag:$0x1] =	stream.indirect_vreg.gather [hbm4b:s1+s3], $0x80, v4, vm0, $0xb8;
	[tilespmem:$0x14080] =	vst v63  }
0x82: {  	v3 =	vperm.xlane v3, v2  }
0x83: {  	[tilespmem:s24], [sflag:$0x1] =	stream.indirect_vreg.gather [hbm4b:s4+s3], $0x80, v4, vm0, $0xb8;
	[tilespmem:$0x14080] =	vst v63  }
0x84: {  	v3 =	vadd.s32 v1, v3  }
0x85: {  	[tilespmem:s25], [sflag:$0x1] =	stream.indirect_vreg.gather [hbm4b:s5+s3], $0x80, v4, vm0, $0xb8;
	[tilespmem:$0x14080] =	vst v63  }
0x86: {  	_ = 	snop  }
0x87: {  	[tilespmem:s26], [sflag:$0x1] =	stream.indirect_vreg.gather [hbm4b:s6+s3], $0x80, v4, vm0, $0xb8;
	[tilespmem:$0x14080] =	vst v63  }
0x88: {  	_ = 	snop  }
0x89: {  	[tilespmem:s28], [sflag:$0x1] =	stream.indirect_vreg.gather [hbm4b:s1+s3], $0x80, v3, vm0, $0xb8;
	[tilespmem:$0x14080] =	vst v63  }
0x8a: {  	_ = 	snop  }
0x8b: {  	[tilespmem:s29], [sflag:$0x1] =	stream.indirect_vreg.gather [hbm4b:s4+s3], $0x80, v3, vm0, $0xb8;
	[tilespmem:$0x14080] =	vst v63  }
0x8c: {  	_ = 	snop  }
0x8d: {  	[tilespmem:s30], [sflag:$0x1] =	stream.indirect_vreg.gather [hbm4b:s5+s3], $0x80, v3, vm0, $0xb8;
	[tilespmem:$0x14080] =	vst v63  }
0x8e: {  	_ = 	snop  }
0x8f: {  	[tilespmem:s31], [sflag:$0x1] =	stream.indirect_vreg.gather [hbm4b:s6+s3], $0x80, v3, vm0, $0xb8;
	[tilespmem:$0x14080] =	vst v63  }
0x90: {  	_ =	swait.ge [sflag:s2], $0x14000  }
0x91: {  	p0 =	sne.s32 s7, $0x1;
	[sflag:s2] =	ssyncset.done $0x0  }
.Ltmp0:
0x92: {  	s10 =	rddreg [dreg:$0x5];
	[sflag:s2] =	ssyncadd.s32 $0xFFFEC000;
	(pc) =	sbr.rel @p0 .LBB2_1-.Ltmp0, $4  }
0x93: {  	[hbm4b:s10+s3] =	stream.linear.scatter [tilespmem:s9], [sflag:$0x2], $0x14000, $0x38;
	[tilespmem:$0x14080] =	vst v63  }
0x94: {  	_ =	swait.ge [sflag:s8], $0x14000  }
0x95: {  	[sflag:s8] =	ssyncset.done $0x0  }
0x96: {  	s7 =	sadd.s32 $0xFFFFFFFF, s7;
	[sflag:s8] =	ssyncadd.s32 $0xFFFEC000  }
0x97: {  	_ =	sfence.sel $0x180000  }
0x98: {  	[bflag:$0x0] =	sbarrier.arrive $0xFFFF  }
0x99: {  	_ =	strace $0x90000047  }
0x9a: {  	s0 =	stileid.u32;
	[bflag:$0x2] =	sbarrier.arrive $0xFFFF  }
0x9b: {  	p0 =	sne.s32 s0, $0x0;
	s0 =	rddreg [dreg:$0x3]  }
0x9c: {  	s0 =	sadd.s32 @!p0 $0x100000, s0  }
0x9d: {  	[sflag:s0] =	ssyncadd.tile.s32 @!p0 $0x1;
	_ =	shalt  }
.Lfunc_end2:
_tile_overlayer_lowered:
.L_overlay_start_2:
0x9e: {  	(tag) =	ssettag $0x2  }
0x9f: {  	s0 =	rddreg [dreg:$0x0];
	s2 =	stileid.u32  }
0xa0: {  	s1 =	rddreg [dreg:$0x1];
	p0 =	sne.s32 s2, $0x0  }
0xa1: {  	s3 =	rddreg [dreg:$0x2];
	[bflag:$0x3] =	sbarrier.arrive $0xFFFF;
	s2 =	simm.s32 @!p0 $0x1C02  }
0xa2: {  	[timem:s3], [sflag:s2] =	dma.local @!p0 [hbm:s0], s1  }
0xa3: {  	s0 =	simm.s32 @!p0 $0x2  }
0xa4: {  	_ =	swait.ge @!p0 [sflag:s0], s1  }
0xa5: {  	s1 =	ssub.s32 @!p0 $0x0, s1;
	[sflag:s0] =	ssyncset.done @!p0 $0x0  }
0xa6: {  	[sflag:s0] =	ssyncadd.s32 @!p0 s1  }
0xa7: {  	[bflag:$0x3] =	sbarrier.arrive $0xFFFF  }
0xa8: {  	_ =	shalt  }

</sc_bundles>
